<compile_context>
chip_gen: v7x
topology: tpu7x:2x2x1
jax: 0.10.2.dev20260603
libtpu: 0.0.44.dev20260713+nightly
codegen_flags: <defaults>
</compile_context>

<pallas_src>
import functools

import jax
import jax.numpy as jnp
from jax import lax
from jax.experimental import pallas as pl
from jax.experimental.pallas import tpu as pltpu
from jax.experimental.pallas import tpu_sc as plsc

VOCAB = 1000000
EMB_DIM = 64
BATCH = 16384

NUM_CORES = 2
NUM_SUBCORES = 16
NUM_WORKERS = NUM_CORES * NUM_SUBCORES
B_PER_W = BATCH // NUM_WORKERS
LANES = 16

_mesh = plsc.VectorSubcoreMesh(core_axis_name="c", subcore_axis_name="s")


@functools.partial(
    pl.kernel,
    mesh=_mesh,
    compiler_params=pltpu.CompilerParams(needs_layout_passes=False),
    out_type=jax.ShapeDtypeStruct((BATCH, 1, EMB_DIM), jnp.float32),
    scratch_types=[
        pltpu.VMEM((B_PER_W,), jnp.int32),
        pltpu.VMEM((B_PER_W, 1, EMB_DIM), jnp.float32),
        pltpu.SemaphoreType.DMA,
    ],
)
def _sc_gather(idx_hbm, table_hbm, out_hbm, idx_v, rows_v, sem):
    wid = lax.axis_index("s") * NUM_CORES + lax.axis_index("c")
    base = wid * B_PER_W
    lane_ids = lax.broadcasted_iota(jnp.int32, (LANES,), 0)

    pltpu.sync_copy(idx_hbm.at[pl.ds(base, B_PER_W)], idx_v)

    def group(g, _):
        v = idx_v[pl.ds(g * LANES, LANES)]
        for l in range(LANES):
            s = jnp.max(jnp.where(lane_ids == l, v, 0))
            pltpu.async_copy(
                table_hbm.at[pl.ds(s >> 3, 1), pl.ds(s & 7, 1)],
                rows_v.at[pl.ds(g * LANES + l, 1)],
                sem,
            )
        return ()

    lax.fori_loop(0, B_PER_W // LANES, group, (), unroll=False)

    pltpu.make_async_copy(
        table_hbm.at[pl.ds(0, B_PER_W), pl.ds(0, 1)], rows_v, sem).wait()

    pltpu.sync_copy(rows_v, out_hbm.at[pl.ds(base, B_PER_W)])


def kernel(x, table):
    idx = x.astype(jnp.int32)
    out3 = _sc_gather(idx, table.reshape(VOCAB // 8, 8, EMB_DIM))
    return out3.reshape(BATCH, EMB_DIM)

# --- scband reference (transcript-rebuilt; emitter-appended) ---
"""Pipeline reference for scband-skip-gram-33681133536054 (READ-ONLY COPY).

The authoritative reference and input builder live on the scoring server;
editing this copy changes nothing except your own understanding.
"""

import jax, jax.numpy as jnp
import numpy as np

VOCAB = 1000000
EMB_DIM = 64
BATCH = 16384

def setup_inputs(seed: int = 0) -> dict:
    key = jax.random.key(seed)
    k_idx, k_tab = jax.random.split(key)
    x = jax.random.randint(k_idx, (BATCH,), 0, VOCAB, dtype=jnp.int64 if jax.config.jax_enable_x64 else jnp.int32)
    table = jax.random.normal(k_tab, (VOCAB, EMB_DIM), dtype=jnp.float32)
    return {"x": x, "table": table}

def reference(x, table):
    # nn.Embedding lookup: gather rows of the embedding table
    return jnp.take(table, x, axis=0)

if __name__ == "__main__":
    import jax
    _d = setup_inputs()
    print(jax.jit(kernel)(*tuple(_d.values())))

</pallas_src>

<mosaic_0001>
#map = affine_map<(d0, d1) -> (0)>
#map1 = affine_map<(d0, d1) -> (0, 0, 0)>
module attributes {stable_mosaic.version = 14 : i64} {
  func.func @_sc_gather(%arg0: i32, %arg1: i32, %arg2: memref<16384xi32, #tpu.memory_space<hbm>>, %arg3: memref<125000x8x64xf32, #tpu.memory_space<hbm>>, %arg4: memref<16384x1x64xf32, #tpu.memory_space<hbm>>, %arg5: memref<512xi32, #tpu.memory_space<vmem>>, %arg6: memref<512x1x64xf32, #tpu.memory_space<vmem>>, %arg7: memref<!tpu.dma_semaphore, #tpu.memory_space<semaphore_mem>>) attributes {dimension_semantics = [#tpu.dimension_semantics<core_parallel>, #tpu.dimension_semantics<subcore_parallel>], iteration_bounds = array<i64: 2, 16>, scalar_prefetch = 0 : i64, scratch_operands = 3 : i64, tpu.core_type = #tpu.core_type<sc_vector_subcore>, window_params = [{transform_indices = #map}, {transform_indices = #map1}, {transform_indices = #map1}]} {
    %mul3A = arith.constant 2 : i32
    %mul3A_0 = arith.muli %arg1, %mul3A : i32
    %add3A = arith.addi %mul3A_0, %arg0 : i32
    %mul3A_1 = arith.constant 512 : i32
    %mul3A_2 = arith.muli %add3A, %mul3A_1 : i32
    %iota3A = tpu.iota {dimensions = array<i32: 0>} : vector<16xi32>
    "tpu.region"() ({
      %run_scoped3A = tpu.sem_alloc : memref<!tpu.dma_semaphore, #tpu.memory_space<semaphore_mem>>
      %dma_start3A = tpu.memref_slice %arg2[%mul3A_2] : memref<16384xi32, #tpu.memory_space<hbm>> -> memref<512xi32, #tpu.memory_space<hbm>>
      %dma_start3A_14 = tpu.memref_slice %arg2[%mul3A_2] : memref<16384xi32, #tpu.memory_space<hbm>> -> memref<512xi32, #tpu.memory_space<hbm>>
      tpu.enqueue_dma source(%dma_start3A_14 : memref<512xi32, #tpu.memory_space<hbm>>) target(%arg5 : memref<512xi32, #tpu.memory_space<vmem>>) target_semaphore(%run_scoped3A : memref<!tpu.dma_semaphore, #tpu.memory_space<semaphore_mem>>)
      %dma_wait3A_15 = tpu.memref_slice %arg2[%mul3A_2] : memref<16384xi32, #tpu.memory_space<hbm>> -> memref<512xi32, #tpu.memory_space<hbm>>
      %dma_wait3A_16 = tpu.memref_slice %arg2[%mul3A_2] : memref<16384xi32, #tpu.memory_space<hbm>> -> memref<512xi32, #tpu.memory_space<hbm>>
      tpu.wait_dma2 semaphore(%run_scoped3A : memref<!tpu.dma_semaphore, #tpu.memory_space<semaphore_mem>>) src(%dma_wait3A_16 : memref<512xi32, #tpu.memory_space<hbm>>) dst(%arg5 : memref<512xi32, #tpu.memory_space<vmem>>)
      tpu.yield
    }) : () -> ()
    %scan3A = arith.constant 0 : i32
    %scan3A_3 = arith.constant 32 : i32
    %scan3A_4 = arith.addi %scan3A, %scan3A_3 : i32
    %scan3A_5 = arith.constant 1 : i32
    scf.for %scan3A_14 = %scan3A to %scan3A_4 step %scan3A_5  : i32 {
      %mul3A_15 = arith.constant 16 : i32
      %mul3A_16 = arith.muli %scan3A_14, %mul3A_15 : i32
      %get3A = arith.index_cast %mul3A_16 : i32 to index
      %get3A_17 = tpu.vector_load %arg5[%get3A] {strides = array<i32>} : memref<512xi32, #tpu.memory_space<vmem>>, vector<16xi32>,
      %eq3A = arith.constant 0 : i32
      %eq3A_18 = vector.broadcast %eq3A : i32 to vector<16xi32>
      %eq3A_19 = arith.cmpi eq, %iota3A, %eq3A_18 : vector<16xi32>
      %jit3A = arith.constant 0 : i32
      %broadcast_in_dim3A = vector.broadcast %jit3A : i32 to vector<16xi32>
      %select_n3A = arith.select %eq3A_19, %get3A_17, %broadcast_in_dim3A : vector<16xi1>, vector<16xi32>
      %reduce_max3A = arith.constant true
      %reduce_max3A_20 = vector.broadcast %reduce_max3A : i1 to vector<16xi1>
      %reduce_max3A_21 = arith.constant -2147483648 : i32
      %reduce_max3A_22 = vector.broadcast %reduce_max3A_21 : i32 to vector<16xi32>
      %reduce_max3A_23 = arith.xori %select_n3A, %reduce_max3A_22 : vector<16xi32>
      %reduce_max3A_24 = tpu.scan <max>, %reduce_max3A_23 masked %reduce_max3A_20 : vector<16xi32>, vector<16xi1> -> vector<16xi32>
      %reduce_max3A_25 = arith.xori %reduce_max3A_24, %reduce_max3A_22 : vector<16xi32>
      %reduce_max3A_26 = vector.extract %reduce_max3A_25[15] : i32 from vector<16xi32>
      %shift_right_arithmetic3A = arith.constant 3 : i32
      %shift_right_arithmetic3A_27 = arith.shrsi %reduce_max3A_26, %shift_right_arithmetic3A : i32
      %and3A = arith.constant 7 : i32
      %and3A_28 = arith.andi %reduce_max3A_26, %and3A : i32
      %mul3A_29 = arith.constant 16 : i32
      %mul3A_30 = arith.muli %scan3A_14, %mul3A_29 : i32
      %add3A_31 = arith.constant 0 : i32
      %add3A_32 = arith.addi %mul3A_30, %add3A_31 : i32
      %dma_start3A = arith.constant 0 : i32
      %dma_start3A_33 = arith.constant 0 : i32
      %dma_start3A_34 = tpu.memref_slice %arg6[%add3A_32, %dma_start3A, %dma_start3A_33] : memref<512x1x64xf32, #tpu.memory_space<vmem>> -> memref<1x1x64xf32, #tpu.memory_space<vmem>>
      %dma_start3A_35 = arith.constant 0 : i32
      %dma_start3A_36 = tpu.memref_slice %arg3[%shift_right_arithmetic3A_27, %and3A_28, %dma_start3A_35] : memref<125000x8x64xf32, #tpu.memory_space<hbm>> -> memref<1x1x64xf32, #tpu.memory_space<hbm>>
      %dma_start3A_37 = arith.constant 0 : i32
      %dma_start3A_38 = arith.constant 0 : i32
      %dma_start3A_39 = tpu.memref_slice %arg6[%add3A_32, %dma_start3A_37, %dma_start3A_38] : memref<512x1x64xf32, #tpu.memory_space<vmem>> -> memref<1x1x64xf32, #tpu.memory_space<vmem>>
      %dma_start3A_40 = arith.constant 0 : i32
      %dma_start3A_41 = tpu.memref_slice %arg3[%shift_right_arithmetic3A_27, %and3A_28, %dma_start3A_40] : memref<125000x8x64xf32, #tpu.memory_space<hbm>> -> memref<1x1x64xf32, #tpu.memory_space<hbm>>
      tpu.enqueue_dma source(%dma_start3A_41 : memref<1x1x64xf32, #tpu.memory_space<hbm>>) target(%dma_start3A_39 : memref<1x1x64xf32, #tpu.memory_space<vmem>>) target_semaphore(%arg7 : memref<!tpu.dma_semaphore, #tpu.memory_space<semaphore_mem>>)
      %eq3A_42 = arith.constant 1 : i32
      %eq3A_43 = vector.broadcast %eq3A_42 : i32 to vector<16xi32>
      %eq3A_44 = arith.cmpi eq, %iota3A, %eq3A_43 : vector<16xi32>
      %jit3A_45 = arith.constant 0 : i32
      %broadcast_in_dim3A_46 = vector.broadcast %jit3A_45 : i32 to vector<16xi32>
      %select_n3A_47 = arith.select %eq3A_44, %get3A_17, %broadcast_in_dim3A_46 : vector<16xi1>, vector<16xi32>
      %reduce_max3A_48 = arith.constant true
      %reduce_max3A_49 = vector.broadcast %reduce_max3A_48 : i1 to vector<16xi1>
      %reduce_max3A_50 = arith.constant -2147483648 : i32
      %reduce_max3A_51 = vector.broadcast %reduce_max3A_50 : i32 to vector<16xi32>
      %reduce_max3A_52 = arith.xori %select_n3A_47, %reduce_max3A_51 : vector<16xi32>
      %reduce_max3A_53 = tpu.scan <max>, %reduce_max3A_52 masked %reduce_max3A_49 : vector<16xi32>, vector<16xi1> -> vector<16xi32>
      %reduce_max3A_54 = arith.xori %reduce_max3A_53, %reduce_max3A_51 : vector<16xi32>
      %reduce_max3A_55 = vector.extract %reduce_max3A_54[15] : i32 from vector<16xi32>
      %shift_right_arithmetic3A_56 = arith.constant 3 : i32
      %shift_right_arithmetic3A_57 = arith.shrsi %reduce_max3A_55, %shift_right_arithmetic3A_56 : i32
      %and3A_58 = arith.constant 7 : i32
      %and3A_59 = arith.andi %reduce_max3A_55, %and3A_58 : i32
      %mul3A_60 = arith.constant 16 : i32
      %mul3A_61 = arith.muli %scan3A_14, %mul3A_60 : i32
      %add3A_62 = arith.constant 1 : i32
      %add3A_63 = arith.addi %mul3A_61, %add3A_62 : i32
      %dma_start3A_64 = arith.constant 0 : i32
      %dma_start3A_65 = arith.constant 0 : i32
      %dma_start3A_66 = tpu.memref_slice %arg6[%add3A_63, %dma_start3A_64, %dma_start3A_65] : memref<512x1x64xf32, #tpu.memory_space<vmem>> -> memref<1x1x64xf32, #tpu.memory_space<vmem>>
      %dma_start3A_67 = arith.constant 0 : i32
      %dma_start3A_68 = tpu.memref_slice %arg3[%shift_right_arithmetic3A_57, %and3A_59, %dma_start3A_67] : memref<125000x8x64xf32, #tpu.memory_space<hbm>> -> memref<1x1x64xf32, #tpu.memory_space<hbm>>
      %dma_start3A_69 = arith.constant 0 : i32
      %dma_start3A_70 = arith.constant 0 : i32
      %dma_start3A_71 = tpu.memref_slice %arg6[%add3A_63, %dma_start3A_69, %dma_start3A_70] : memref<512x1x64xf32, #tpu.memory_space<vmem>> -> memref<1x1x64xf32, #tpu.memory_space<vmem>>
      %dma_start3A_72 = arith.constant 0 : i32
      %dma_start3A_73 = tpu.memref_slice %arg3[%shift_right_arithmetic3A_57, %and3A_59, %dma_start3A_72] : memref<125000x8x64xf32, #tpu.memory_space<hbm>> -> memref<1x1x64xf32, #tpu.memory_space<hbm>>
      tpu.enqueue_dma source(%dma_start3A_73 : memref<1x1x64xf32, #tpu.memory_space<hbm>>) target(%dma_start3A_71 : memref<1x1x64xf32, #tpu.memory_space<vmem>>) target_semaphore(%arg7 : memref<!tpu.dma_semaphore, #tpu.memory_space<semaphore_mem>>)
      %eq3A_74 = arith.constant 2 : i32
      %eq3A_75 = vector.broadcast %eq3A_74 : i32 to vector<16xi32>
      %eq3A_76 = arith.cmpi eq, %iota3A, %eq3A_75 : vector<16xi32>
      %jit3A_77 = arith.constant 0 : i32
      %broadcast_in_dim3A_78 = vector.broadcast %jit3A_77 : i32 to vector<16xi32>
      %select_n3A_79 = arith.select %eq3A_76, %get3A_17, %broadcast_in_dim3A_78 : vector<16xi1>, vector<16xi32>
      %reduce_max3A_80 = arith.constant true
      %reduce_max3A_81 = vector.broadcast %reduce_max3A_80 : i1 to vector<16xi1>
      %reduce_max3A_82 = arith.constant -2147483648 : i32
      %reduce_max3A_83 = vector.broadcast %reduce_max3A_82 : i32 to vector<16xi32>
      %reduce_max3A_84 = arith.xori %select_n3A_79, %reduce_max3A_83 : vector<16xi32>
      %reduce_max3A_85 = tpu.scan <max>, %reduce_max3A_84 masked %reduce_max3A_81 : vector<16xi32>, vector<16xi1> -> vector<16xi32>
      %reduce_max3A_86 = arith.xori %reduce_max3A_85, %reduce_max3A_83 : vector<16xi32>
      %reduce_max3A_87 = vector.extract %reduce_max3A_86[15] : i32 from vector<16xi32>
      %shift_right_arithmetic3A_88 = arith.constant 3 : i32
      %shift_right_arithmetic3A_89 = arith.shrsi %reduce_max3A_87, %shift_right_arithmetic3A_88 : i32
      %and3A_90 = arith.constant 7 : i32
      %and3A_91 = arith.andi %reduce_max3A_87, %and3A_90 : i32
      %mul3A_92 = arith.constant 16 : i32
      %mul3A_93 = arith.muli %scan3A_14, %mul3A_92 : i32
      %add3A_94 = arith.constant 2 : i32
      %add3A_95 = arith.addi %mul3A_93, %add3A_94 : i32
      %dma_start3A_96 = arith.constant 0 : i32
      %dma_start3A_97 = arith.constant 0 : i32
      %dma_start3A_98 = tpu.memref_slice %arg6[%add3A_95, %dma_start3A_96, %dma_start3A_97] : memref<512x1x64xf32, #tpu.memory_space<vmem>> -> memref<1x1x64xf32, #tpu.memory_space<vmem>>
      %dma_start3A_99 = arith.constant 0 : i32
      %dma_start3A_100 = tpu.memref_slice %arg3[%shift_right_arithmetic3A_89, %and3A_91, %dma_start3A_99] : memref<125000x8x64xf32, #tpu.memory_space<hbm>> -> memref<1x1x64xf32, #tpu.memory_space<hbm>>
      %dma_start3A_101 = arith.constant 0 : i32
      %dma_start3A_102 = arith.constant 0 : i32
      %dma_start3A_103 = tpu.memref_slice %arg6[%add3A_95, %dma_start3A_101, %dma_start3A_102] : memref<512x1x64xf32, #tpu.memory_space<vmem>> -> memref<1x1x64xf32, #tpu.memory_space<vmem>>
      %dma_start3A_104 = arith.constant 0 : i32
      %dma_start3A_105 = tpu.memref_slice %arg3[%shift_right_arithmetic3A_89, %and3A_91, %dma_start3A_104] : memref<125000x8x64xf32, #tpu.memory_space<hbm>> -> memref<1x1x64xf32, #tpu.memory_space<hbm>>
      tpu.enqueue_dma source(%dma_start3A_105 : memref<1x1x64xf32, #tpu.memory_space<hbm>>) target(%dma_start3A_103 : memref<1x1x64xf32, #tpu.memory_space<vmem>>) target_semaphore(%arg7 : memref<!tpu.dma_semaphore, #tpu.memory_space<semaphore_mem>>)
      %eq3A_106 = arith.constant 3 : i32
      %eq3A_107 = vector.broadcast %eq3A_106 : i32 to vector<16xi32>
      %eq3A_108 = arith.cmpi eq, %iota3A, %eq3A_107 : vector<16xi32>
      %jit3A_109 = arith.constant 0 : i32
      %broadcast_in_dim3A_110 = vector.broadcast %jit3A_109 : i32 to vector<16xi32>
      %select_n3A_111 = arith.select %eq3A_108, %get3A_17, %broadcast_in_dim3A_110 : vector<16xi1>, vector<16xi32>
      %reduce_max3A_112 = arith.constant true
      %reduce_max3A_113 = vector.broadcast %reduce_max3A_112 : i1 to vector<16xi1>
      %reduce_max3A_114 = arith.constant -2147483648 : i32
      %reduce_max3A_115 = vector.broadcast %reduce_max3A_114 : i32 to vector<16xi32>
      %reduce_max3A_116 = arith.xori %select_n3A_111, %reduce_max3A_115 : vector<16xi32>
      %reduce_max3A_117 = tpu.scan <max>, %reduce_max3A_116 masked %reduce_max3A_113 : vector<16xi32>, vector<16xi1> -> vector<16xi32>
      %reduce_max3A_118 = arith.xori %reduce_max3A_117, %reduce_max3A_115 : vector<16xi32>
      %reduce_max3A_119 = vector.extract %reduce_max3A_118[15] : i32 from vector<16xi32>
      %shift_right_arithmetic3A_120 = arith.constant 3 : i32
      %shift_right_arithmetic3A_121 = arith.shrsi %reduce_max3A_119, %shift_right_arithmetic3A_120 : i32
      %and3A_122 = arith.constant 7 : i32
      %and3A_123 = arith.andi %reduce_max3A_119, %and3A_122 : i32
      %mul3A_124 = arith.constant 16 : i32
      %mul3A_125 = arith.muli %scan3A_14, %mul3A_124 : i32
      %add3A_126 = arith.constant 3 : i32
      %add3A_127 = arith.addi %mul3A_125, %add3A_126 : i32
      %dma_start3A_128 = arith.constant 0 : i32
      %dma_start3A_129 = arith.constant 0 : i32
      %dma_start3A_130 = tpu.memref_slice %arg6[%add3A_127, %dma_start3A_128, %dma_start3A_129] : memref<512x1x64xf32, #tpu.memory_space<vmem>> -> memref<1x1x64xf32, #tpu.memory_space<vmem>>
      %dma_start3A_131 = arith.constant 0 : i32
      %dma_start3A_132 = tpu.memref_slice %arg3[%shift_right_arithmetic3A_121, %and3A_123, %dma_start3A_131] : memref<125000x8x64xf32, #tpu.memory_space<hbm>> -> memref<1x1x64xf32, #tpu.memory_space<hbm>>
      %dma_start3A_133 = arith.constant 0 : i32
      %dma_start3A_134 = arith.constant 0 : i32
      %dma_start3A_135 = tpu.memref_slice %arg6[%add3A_127, %dma_start3A_133, %dma_start3A_134] : memref<512x1x64xf32, #tpu.memory_space<vmem>> -> memref<1x1x64xf32, #tpu.memory_space<vmem>>
      %dma_start3A_136 = arith.constant 0 : i32
      %dma_start3A_137 = tpu.memref_slice %arg3[%shift_right_arithmetic3A_121, %and3A_123, %dma_start3A_136] : memref<125000x8x64xf32, #tpu.memory_space<hbm>> -> memref<1x1x64xf32, #tpu.memory_space<hbm>>
      tpu.enqueue_dma source(%dma_start3A_137 : memref<1x1x64xf32, #tpu.memory_space<hbm>>) target(%dma_start3A_135 : memref<1x1x64xf32, #tpu.memory_space<vmem>>) target_semaphore(%arg7 : memref<!tpu.dma_semaphore, #tpu.memory_space<semaphore_mem>>)
      %eq3A_138 = arith.constant 4 : i32
      %eq3A_139 = vector.broadcast %eq3A_138 : i32 to vector<16xi32>
      %eq3A_140 = arith.cmpi eq, %iota3A, %eq3A_139 : vector<16xi32>
      %jit3A_141 = arith.constant 0 : i32
      %broadcast_in_dim3A_142 = vector.broadcast %jit3A_141 : i32 to vector<16xi32>
      %select_n3A_143 = arith.select %eq3A_140, %get3A_17, %broadcast_in_dim3A_142 : vector<16xi1>, vector<16xi32>
      %reduce_max3A_144 = arith.constant true
      %reduce_max3A_145 = vector.broadcast %reduce_max3A_144 : i1 to vector<16xi1>
      %reduce_max3A_146 = arith.constant -2147483648 : i32
      %reduce_max3A_147 = vector.broadcast %reduce_max3A_146 : i32 to vector<16xi32>
      %reduce_max3A_148 = arith.xori %select_n3A_143, %reduce_max3A_147 : vector<16xi32>
      %reduce_max3A_149 = tpu.scan <max>, %reduce_max3A_148 masked %reduce_max3A_145 : vector<16xi32>, vector<16xi1> -> vector<16xi32>
      %reduce_max3A_150 = arith.xori %reduce_max3A_149, %reduce_max3A_147 : vector<16xi32>
      %reduce_max3A_151 = vector.extract %reduce_max3A_150[15] : i32 from vector<16xi32>
      %shift_right_arithmetic3A_152 = arith.constant 3 : i32
      %shift_right_arithmetic3A_153 = arith.shrsi %reduce_max3A_151, %shift_right_arithmetic3A_152 : i32
      %and3A_154 = arith.constant 7 : i32
      %and3A_155 = arith.andi %reduce_max3A_151, %and3A_154 : i32
      %mul3A_156 = arith.constant 16 : i32
      %mul3A_157 = arith.muli %scan3A_14, %mul3A_156 : i32
      %add3A_158 = arith.constant 4 : i32
      %add3A_159 = arith.addi %mul3A_157, %add3A_158 : i32
      %dma_start3A_160 = arith.constant 0 : i32
      %dma_start3A_161 = arith.constant 0 : i32
      %dma_start3A_162 = tpu.memref_slice %arg6[%add3A_159, %dma_start3A_160, %dma_start3A_161] : memref<512x1x64xf32, #tpu.memory_space<vmem>> -> memref<1x1x64xf32, #tpu.memory_space<vmem>>
      %dma_start3A_163 = arith.constant 0 : i32
      %dma_start3A_164 = tpu.memref_slice %arg3[%shift_right_arithmetic3A_153, %and3A_155, %dma_start3A_163] : memref<125000x8x64xf32, #tpu.memory_space<hbm>> -> memref<1x1x64xf32, #tpu.memory_space<hbm>>
      %dma_start3A_165 = arith.constant 0 : i32
      %dma_start3A_166 = arith.constant 0 : i32
      %dma_start3A_167 = tpu.memref_slice %arg6[%add3A_159, %dma_start3A_165, %dma_start3A_166] : memref<512x1x64xf32, #tpu.memory_space<vmem>> -> memref<1x1x64xf32, #tpu.memory_space<vmem>>
      %dma_start3A_168 = arith.constant 0 : i32
      %dma_start3A_169 = tpu.memref_slice %arg3[%shift_right_arithmetic3A_153, %and3A_155, %dma_start3A_168] : memref<125000x8x64xf32, #tpu.memory_space<hbm>> -> memref<1x1x64xf32, #tpu.memory_space<hbm>>
      tpu.enqueue_dma source(%dma_start3A_169 : memref<1x1x64xf32, #tpu.memory_space<hbm>>) target(%dma_start3A_167 : memref<1x1x64xf32, #tpu.memory_space<vmem>>) target_semaphore(%arg7 : memref<!tpu.dma_semaphore, #tpu.memory_space<semaphore_mem>>)
      %eq3A_170 = arith.constant 5 : i32
      %eq3A_171 = vector.broadcast %eq3A_170 : i32 to vector<16xi32>
      %eq3A_172 = arith.cmpi eq, %iota3A, %eq3A_171 : vector<16xi32>
      %jit3A_173 = arith.constant 0 : i32
      %broadcast_in_dim3A_174 = vector.broadcast %jit3A_173 : i32 to vector<16xi32>
      %select_n3A_175 = arith.select %eq3A_172, %get3A_17, %broadcast_in_dim3A_174 : vector<16xi1>, vector<16xi32>
      %reduce_max3A_176 = arith.constant true
      %reduce_max3A_177 = vector.broadcast %reduce_max3A_176 : i1 to vector<16xi1>
      %reduce_max3A_178 = arith.constant -2147483648 : i32
      %reduce_max3A_179 = vector.broadcast %reduce_max3A_178 : i32 to vector<16xi32>
      %reduce_max3A_180 = arith.xori %select_n3A_175, %reduce_max3A_179 : vector<16xi32>
      %reduce_max3A_181 = tpu.scan <max>, %reduce_max3A_180 masked %reduce_max3A_177 : vector<16xi32>, vector<16xi1> -> vector<16xi32>
      %reduce_max3A_182 = arith.xori %reduce_max3A_181, %reduce_max3A_179 : vector<16xi32>
      %reduce_max3A_183 = vector.extract %reduce_max3A_182[15] : i32 from vector<16xi32>
      %shift_right_arithmetic3A_184 = arith.constant 3 : i32
      %shift_right_arithmetic3A_185 = arith.shrsi %reduce_max3A_183, %shift_right_arithmetic3A_184 : i32
      %and3A_186 = arith.constant 7 : i32
      %and3A_187 = arith.andi %reduce_max3A_183, %and3A_186 : i32
      %mul3A_188 = arith.constant 16 : i32
      %mul3A_189 = arith.muli %scan3A_14, %mul3A_188 : i32
      %add3A_190 = arith.constant 5 : i32
      %add3A_191 = arith.addi %mul3A_189, %add3A_190 : i32
      %dma_start3A_192 = arith.constant 0 : i32
      %dma_start3A_193 = arith.constant 0 : i32
      %dma_start3A_194 = tpu.memref_slice %arg6[%add3A_191, %dma_start3A_192, %dma_start3A_193] : memref<512x1x64xf32, #tpu.memory_space<vmem>> -> memref<1x1x64xf32, #tpu.memory_space<vmem>>
      %dma_start3A_195 = arith.constant 0 : i32
      %dma_start3A_196 = tpu.memref_slice %arg3[%shift_right_arithmetic3A_185, %and3A_187, %dma_start3A_195] : memref<125000x8x64xf32, #tpu.memory_space<hbm>> -> memref<1x1x64xf32, #tpu.memory_space<hbm>>
      %dma_start3A_197 = arith.constant 0 : i32
      %dma_start3A_198 = arith.constant 0 : i32
      %dma_start3A_199 = tpu.memref_slice %arg6[%add3A_191, %dma_start3A_197, %dma_start3A_198] : memref<512x1x64xf32, #tpu.memory_space<vmem>> -> memref<1x1x64xf32, #tpu.memory_space<vmem>>
      %dma_start3A_200 = arith.constant 0 : i32
      %dma_start3A_201 = tpu.memref_slice %arg3[%shift_right_arithmetic3A_185, %and3A_187, %dma_start3A_200] : memref<125000x8x64xf32, #tpu.memory_space<hbm>> -> memref<1x1x64xf32, #tpu.memory_space<hbm>>
      tpu.enqueue_dma source(%dma_start3A_201 : memref<1x1x64xf32, #tpu.memory_space<hbm>>) target(%dma_start3A_199 : memref<1x1x64xf32, #tpu.memory_space<vmem>>) target_semaphore(%arg7 : memref<!tpu.dma_semaphore, #tpu.memory_space<semaphore_mem>>)
      %eq3A_202 = arith.constant 6 : i32
      %eq3A_203 = vector.broadcast %eq3A_202 : i32 to vector<16xi32>
      %eq3A_204 = arith.cmpi eq, %iota3A, %eq3A_203 : vector<16xi32>
      %jit3A_205 = arith.constant 0 : i32
      %broadcast_in_dim3A_206 = vector.broadcast %jit3A_205 : i32 to vector<16xi32>
      %select_n3A_207 = arith.select %eq3A_204, %get3A_17, %broadcast_in_dim3A_206 : vector<16xi1>, vector<16xi32>
      %reduce_max3A_208 = arith.constant true
      %reduce_max3A_209 = vector.broadcast %reduce_max3A_208 : i1 to vector<16xi1>
      %reduce_max3A_210 = arith.constant -2147483648 : i32
      %reduce_max3A_211 = vector.broadcast %reduce_max3A_210 : i32 to vector<16xi32>
      %reduce_max3A_212 = arith.xori %select_n3A_207, %reduce_max3A_211 : vector<16xi32>
      %reduce_max3A_213 = tpu.scan <max>, %reduce_max3A_212 masked %reduce_max3A_209 : vector<16xi32>, vector<16xi1> -> vector<16xi32>
      %reduce_max3A_214 = arith.xori %reduce_max3A_213, %reduce_max3A_211 : vector<16xi32>
      %reduce_max3A_215 = vector.extract %reduce_max3A_214[15] : i32 from vector<16xi32>
      %shift_right_arithmetic3A_216 = arith.constant 3 : i32
      %shift_right_arithmetic3A_217 = arith.shrsi %reduce_max3A_215, %shift_right_arithmetic3A_216 : i32
      %and3A_218 = arith.constant 7 : i32
      %and3A_219 = arith.andi %reduce_max3A_215, %and3A_218 : i32
      %mul3A_220 = arith.constant 16 : i32
      %mul3A_221 = arith.muli %scan3A_14, %mul3A_220 : i32
      %add3A_222 = arith.constant 6 : i32
      %add3A_223 = arith.addi %mul3A_221, %add3A_222 : i32
      %dma_start3A_224 = arith.constant 0 : i32
      %dma_start3A_225 = arith.constant 0 : i32
      %dma_start3A_226 = tpu.memref_slice %arg6[%add3A_223, %dma_start3A_224, %dma_start3A_225] : memref<512x1x64xf32, #tpu.memory_space<vmem>> -> memref<1x1x64xf32, #tpu.memory_space<vmem>>
      %dma_start3A_227 = arith.constant 0 : i32
      %dma_start3A_228 = tpu.memref_slice %arg3[%shift_right_arithmetic3A_217, %and3A_219, %dma_start3A_227] : memref<125000x8x64xf32, #tpu.memory_space<hbm>> -> memref<1x1x64xf32, #tpu.memory_space<hbm>>
      %dma_start3A_229 = arith.constant 0 : i32
      %dma_start3A_230 = arith.constant 0 : i32
      %dma_start3A_231 = tpu.memref_slice %arg6[%add3A_223, %dma_start3A_229, %dma_start3A_230] : memref<512x1x64xf32, #tpu.memory_space<vmem>> -> memref<1x1x64xf32, #tpu.memory_space<vmem>>
      %dma_start3A_232 = arith.constant 0 : i32
      %dma_start3A_233 = tpu.memref_slice %arg3[%shift_right_arithmetic3A_217, %and3A_219, %dma_start3A_232] : memref<125000x8x64xf32, #tpu.memory_space<hbm>> -> memref<1x1x64xf32, #tpu.memory_space<hbm>>
      tpu.enqueue_dma source(%dma_start3A_233 : memref<1x1x64xf32, #tpu.memory_space<hbm>>) target(%dma_start3A_231 : memref<1x1x64xf32, #tpu.memory_space<vmem>>) target_semaphore(%arg7 : memref<!tpu.dma_semaphore, #tpu.memory_space<semaphore_mem>>)
      %eq3A_234 = arith.constant 7 : i32
      %eq3A_235 = vector.broadcast %eq3A_234 : i32 to vector<16xi32>
      %eq3A_236 = arith.cmpi eq, %iota3A, %eq3A_235 : vector<16xi32>
      %jit3A_237 = arith.constant 0 : i32
      %broadcast_in_dim3A_238 = vector.broadcast %jit3A_237 : i32 to vector<16xi32>
      %select_n3A_239 = arith.select %eq3A_236, %get3A_17, %broadcast_in_dim3A_238 : vector<16xi1>, vector<16xi32>
      %reduce_max3A_240 = arith.constant true
      %reduce_max3A_241 = vector.broadcast %reduce_max3A_240 : i1 to vector<16xi1>
      %reduce_max3A_242 = arith.constant -2147483648 : i32
      %reduce_max3A_243 = vector.broadcast %reduce_max3A_242 : i32 to vector<16xi32>
      %reduce_max3A_244 = arith.xori %select_n3A_239, %reduce_max3A_243 : vector<16xi32>
      %reduce_max3A_245 = tpu.scan <max>, %reduce_max3A_244 masked %reduce_max3A_241 : vector<16xi32>, vector<16xi1> -> vector<16xi32>
      %reduce_max3A_246 = arith.xori %reduce_max3A_245, %reduce_max3A_243 : vector<16xi32>
      %reduce_max3A_247 = vector.extract %reduce_max3A_246[15] : i32 from vector<16xi32>
      %shift_right_arithmetic3A_248 = arith.constant 3 : i32
      %shift_right_arithmetic3A_249 = arith.shrsi %reduce_max3A_247, %shift_right_arithmetic3A_248 : i32
      %and3A_250 = arith.constant 7 : i32
      %and3A_251 = arith.andi %reduce_max3A_247, %and3A_250 : i32
      %mul3A_252 = arith.constant 16 : i32
      %mul3A_253 = arith.muli %scan3A_14, %mul3A_252 : i32
      %add3A_254 = arith.constant 7 : i32
      %add3A_255 = arith.addi %mul3A_253, %add3A_254 : i32
      %dma_start3A_256 = arith.constant 0 : i32
      %dma_start3A_257 = arith.constant 0 : i32
      %dma_start3A_258 = tpu.memref_slice %arg6[%add3A_255, %dma_start3A_256, %dma_start3A_257] : memref<512x1x64xf32, #tpu.memory_space<vmem>> -> memref<1x1x64xf32, #tpu.memory_space<vmem>>
      %dma_start3A_259 = arith.constant 0 : i32
      %dma_start3A_260 = tpu.memref_slice %arg3[%shift_right_arithmetic3A_249, %and3A_251, %dma_start3A_259] : memref<125000x8x64xf32, #tpu.memory_space<hbm>> -> memref<1x1x64xf32, #tpu.memory_space<hbm>>
      %dma_start3A_261 = arith.constant 0 : i32
      %dma_start3A_262 = arith.constant 0 : i32
      %dma_start3A_263 = tpu.memref_slice %arg6[%add3A_255, %dma_start3A_261, %dma_start3A_262] : memref<512x1x64xf32, #tpu.memory_space<vmem>> -> memref<1x1x64xf32, #tpu.memory_space<vmem>>
      %dma_start3A_264 = arith.constant 0 : i32
      %dma_start3A_265 = tpu.memref_slice %arg3[%shift_right_arithmetic3A_249, %and3A_251, %dma_start3A_264] : memref<125000x8x64xf32, #tpu.memory_space<hbm>> -> memref<1x1x64xf32, #tpu.memory_space<hbm>>
      tpu.enqueue_dma source(%dma_start3A_265 : memref<1x1x64xf32, #tpu.memory_space<hbm>>) target(%dma_start3A_263 : memref<1x1x64xf32, #tpu.memory_space<vmem>>) target_semaphore(%arg7 : memref<!tpu.dma_semaphore, #tpu.memory_space<semaphore_mem>>)
      %eq3A_266 = arith.constant 8 : i32
      %eq3A_267 = vector.broadcast %eq3A_266 : i32 to vector<16xi32>
      %eq3A_268 = arith.cmpi eq, %iota3A, %eq3A_267 : vector<16xi32>
      %jit3A_269 = arith.constant 0 : i32
      %broadcast_in_dim3A_270 = vector.broadcast %jit3A_269 : i32 to vector<16xi32>
      %select_n3A_271 = arith.select %eq3A_268, %get3A_17, %broadcast_in_dim3A_270 : vector<16xi1>, vector<16xi32>
      %reduce_max3A_272 = arith.constant true
      %reduce_max3A_273 = vector.broadcast %reduce_max3A_272 : i1 to vector<16xi1>
      %reduce_max3A_274 = arith.constant -2147483648 : i32
      %reduce_max3A_275 = vector.broadcast %reduce_max3A_274 : i32 to vector<16xi32>
      %reduce_max3A_276 = arith.xori %select_n3A_271, %reduce_max3A_275 : vector<16xi32>
      %reduce_max3A_277 = tpu.scan <max>, %reduce_max3A_276 masked %reduce_max3A_273 : vector<16xi32>, vector<16xi1> -> vector<16xi32>
      %reduce_max3A_278 = arith.xori %reduce_max3A_277, %reduce_max3A_275 : vector<16xi32>
      %reduce_max3A_279 = vector.extract %reduce_max3A_278[15] : i32 from vector<16xi32>
      %shift_right_arithmetic3A_280 = arith.constant 3 : i32
      %shift_right_arithmetic3A_281 = arith.shrsi %reduce_max3A_279, %shift_right_arithmetic3A_280 : i32
      %and3A_282 = arith.constant 7 : i32
      %and3A_283 = arith.andi %reduce_max3A_279, %and3A_282 : i32
      %mul3A_284 = arith.constant 16 : i32
      %mul3A_285 = arith.muli %scan3A_14, %mul3A_284 : i32
      %add3A_286 = arith.constant 8 : i32
      %add3A_287 = arith.addi %mul3A_285, %add3A_286 : i32
      %dma_start3A_288 = arith.constant 0 : i32
      %dma_start3A_289 = arith.constant 0 : i32
      %dma_start3A_290 = tpu.memref_slice %arg6[%add3A_287, %dma_start3A_288, %dma_start3A_289] : memref<512x1x64xf32, #tpu.memory_space<vmem>> -> memref<1x1x64xf32, #tpu.memory_space<vmem>>
      %dma_start3A_291 = arith.constant 0 : i32
      %dma_start3A_292 = tpu.memref_slice %arg3[%shift_right_arithmetic3A_281, %and3A_283, %dma_start3A_291] : memref<125000x8x64xf32, #tpu.memory_space<hbm>> -> memref<1x1x64xf32, #tpu.memory_space<hbm>>
      %dma_start3A_293 = arith.constant 0 : i32
      %dma_start3A_294 = arith.constant 0 : i32
      %dma_start3A_295 = tpu.memref_slice %arg6[%add3A_287, %dma_start3A_293, %dma_start3A_294] : memref<512x1x64xf32, #tpu.memory_space<vmem>> -> memref<1x1x64xf32, #tpu.memory_space<vmem>>
      %dma_start3A_296 = arith.constant 0 : i32
      %dma_start3A_297 = tpu.memref_slice %arg3[%shift_right_arithmetic3A_281, %and3A_283, %dma_start3A_296] : memref<125000x8x64xf32, #tpu.memory_space<hbm>> -> memref<1x1x64xf32, #tpu.memory_space<hbm>>
      tpu.enqueue_dma source(%dma_start3A_297 : memref<1x1x64xf32, #tpu.memory_space<hbm>>) target(%dma_start3A_295 : memref<1x1x64xf32, #tpu.memory_space<vmem>>) target_semaphore(%arg7 : memref<!tpu.dma_semaphore, #tpu.memory_space<semaphore_mem>>)
      %eq3A_298 = arith.constant 9 : i32
      %eq3A_299 = vector.broadcast %eq3A_298 : i32 to vector<16xi32>
      %eq3A_300 = arith.cmpi eq, %iota3A, %eq3A_299 : vector<16xi32>
      %jit3A_301 = arith.constant 0 : i32
      %broadcast_in_dim3A_302 = vector.broadcast %jit3A_301 : i32 to vector<16xi32>
      %select_n3A_303 = arith.select %eq3A_300, %get3A_17, %broadcast_in_dim3A_302 : vector<16xi1>, vector<16xi32>
      %reduce_max3A_304 = arith.constant true
      %reduce_max3A_305 = vector.broadcast %reduce_max3A_304 : i1 to vector<16xi1>
      %reduce_max3A_306 = arith.constant -2147483648 : i32
      %reduce_max3A_307 = vector.broadcast %reduce_max3A_306 : i32 to vector<16xi32>
      %reduce_max3A_308 = arith.xori %select_n3A_303, %reduce_max3A_307 : vector<16xi32>
      %reduce_max3A_309 = tpu.scan <max>, %reduce_max3A_308 masked %reduce_max3A_305 : vector<16xi32>, vector<16xi1> -> vector<16xi32>
      %reduce_max3A_310 = arith.xori %reduce_max3A_309, %reduce_max3A_307 : vector<16xi32>
      %reduce_max3A_311 = vector.extract %reduce_max3A_310[15] : i32 from vector<16xi32>
      %shift_right_arithmetic3A_312 = arith.constant 3 : i32
      %shift_right_arithmetic3A_313 = arith.shrsi %reduce_max3A_311, %shift_right_arithmetic3A_312 : i32
      %and3A_314 = arith.constant 7 : i32
      %and3A_315 = arith.andi %reduce_max3A_311, %and3A_314 : i32
      %mul3A_316 = arith.constant 16 : i32
      %mul3A_317 = arith.muli %scan3A_14, %mul3A_316 : i32
      %add3A_318 = arith.constant 9 : i32
      %add3A_319 = arith.addi %mul3A_317, %add3A_318 : i32
      %dma_start3A_320 = arith.constant 0 : i32
      %dma_start3A_321 = arith.constant 0 : i32
      %dma_start3A_322 = tpu.memref_slice %arg6[%add3A_319, %dma_start3A_320, %dma_start3A_321] : memref<512x1x64xf32, #tpu.memory_space<vmem>> -> memref<1x1x64xf32, #tpu.memory_space<vmem>>
      %dma_start3A_323 = arith.constant 0 : i32
      %dma_start3A_324 = tpu.memref_slice %arg3[%shift_right_arithmetic3A_313, %and3A_315, %dma_start3A_323] : memref<125000x8x64xf32, #tpu.memory_space<hbm>> -> memref<1x1x64xf32, #tpu.memory_space<hbm>>
      %dma_start3A_325 = arith.constant 0 : i32
      %dma_start3A_326 = arith.constant 0 : i32
      %dma_start3A_327 = tpu.memref_slice %arg6[%add3A_319, %dma_start3A_325, %dma_start3A_326] : memref<512x1x64xf32, #tpu.memory_space<vmem>> -> memref<1x1x64xf32, #tpu.memory_space<vmem>>
      %dma_start3A_328 = arith.constant 0 : i32
      %dma_start3A_329 = tpu.memref_slice %arg3[%shift_right_arithmetic3A_313, %and3A_315, %dma_start3A_328] : memref<125000x8x64xf32, #tpu.memory_space<hbm>> -> memref<1x1x64xf32, #tpu.memory_space<hbm>>
      tpu.enqueue_dma source(%dma_start3A_329 : memref<1x1x64xf32, #tpu.memory_space<hbm>>) target(%dma_start3A_327 : memref<1x1x64xf32, #tpu.memory_space<vmem>>) target_semaphore(%arg7 : memref<!tpu.dma_semaphore, #tpu.memory_space<semaphore_mem>>)
      %eq3A_330 = arith.constant 10 : i32
      %eq3A_331 = vector.broadcast %eq3A_330 : i32 to vector<16xi32>
      %eq3A_332 = arith.cmpi eq, %iota3A, %eq3A_331 : vector<16xi32>
      %jit3A_333 = arith.constant 0 : i32
      %broadcast_in_dim3A_334 = vector.broadcast %jit3A_333 : i32 to vector<16xi32>
      %select_n3A_335 = arith.select %eq3A_332, %get3A_17, %broadcast_in_dim3A_334 : vector<16xi1>, vector<16xi32>
      %reduce_max3A_336 = arith.constant true
      %reduce_max3A_337 = vector.broadcast %reduce_max3A_336 : i1 to vector<16xi1>
      %reduce_max3A_338 = arith.constant -2147483648 : i32
      %reduce_max3A_339 = vector.broadcast %reduce_max3A_338 : i32 to vector<16xi32>
      %reduce_max3A_340 = arith.xori %select_n3A_335, %reduce_max3A_339 : vector<16xi32>
      %reduce_max3A_341 = tpu.scan <max>, %reduce_max3A_340 masked %reduce_max3A_337 : vector<16xi32>, vector<16xi1> -> vector<16xi32>
      %reduce_max3A_342 = arith.xori %reduce_max3A_341, %reduce_max3A_339 : vector<16xi32>
      %reduce_max3A_343 = vector.extract %reduce_max3A_342[15] : i32 from vector<16xi32>
      %shift_right_arithmetic3A_344 = arith.constant 3 : i32
      %shift_right_arithmetic3A_345 = arith.shrsi %reduce_max3A_343, %shift_right_arithmetic3A_344 : i32
      %and3A_346 = arith.constant 7 : i32
      %and3A_347 = arith.andi %reduce_max3A_343, %and3A_346 : i32
      %mul3A_348 = arith.constant 16 : i32
      %mul3A_349 = arith.muli %scan3A_14, %mul3A_348 : i32
      %add3A_350 = arith.constant 10 : i32
      %add3A_351 = arith.addi %mul3A_349, %add3A_350 : i32
      %dma_start3A_352 = arith.constant 0 : i32
      %dma_start3A_353 = arith.constant 0 : i32
      %dma_start3A_354 = tpu.memref_slice %arg6[%add3A_351, %dma_start3A_352, %dma_start3A_353] : memref<512x1x64xf32, #tpu.memory_space<vmem>> -> memref<1x1x64xf32, #tpu.memory_space<vmem>>
      %dma_start3A_355 = arith.constant 0 : i32
      %dma_start3A_356 = tpu.memref_slice %arg3[%shift_right_arithmetic3A_345, %and3A_347, %dma_start3A_355] : memref<125000x8x64xf32, #tpu.memory_space<hbm>> -> memref<1x1x64xf32, #tpu.memory_space<hbm>>
      %dma_start3A_357 = arith.constant 0 : i32
      %dma_start3A_358 = arith.constant 0 : i32
      %dma_start3A_359 = tpu.memref_slice %arg6[%add3A_351, %dma_start3A_357, %dma_start3A_358] : memref<512x1x64xf32, #tpu.memory_space<vmem>> -> memref<1x1x64xf32, #tpu.memory_space<vmem>>
      %dma_start3A_360 = arith.constant 0 : i32
      %dma_start3A_361 = tpu.memref_slice %arg3[%shift_right_arithmetic3A_345, %and3A_347, %dma_start3A_360] : memref<125000x8x64xf32, #tpu.memory_space<hbm>> -> memref<1x1x64xf32, #tpu.memory_space<hbm>>
      tpu.enqueue_dma source(%dma_start3A_361 : memref<1x1x64xf32, #tpu.memory_space<hbm>>) target(%dma_start3A_359 : memref<1x1x64xf32, #tpu.memory_space<vmem>>) target_semaphore(%arg7 : memref<!tpu.dma_semaphore, #tpu.memory_space<semaphore_mem>>)
      %eq3A_362 = arith.constant 11 : i32
      %eq3A_363 = vector.broadcast %eq3A_362 : i32 to vector<16xi32>
      %eq3A_364 = arith.cmpi eq, %iota3A, %eq3A_363 : vector<16xi32>
      %jit3A_365 = arith.constant 0 : i32
      %broadcast_in_dim3A_366 = vector.broadcast %jit3A_365 : i32 to vector<16xi32>
      %select_n3A_367 = arith.select %eq3A_364, %get3A_17, %broadcast_in_dim3A_366 : vector<16xi1>, vector<16xi32>
      %reduce_max3A_368 = arith.constant true
      %reduce_max3A_369 = vector.broadcast %reduce_max3A_368 : i1 to vector<16xi1>
      %reduce_max3A_370 = arith.constant -2147483648 : i32
      %reduce_max3A_371 = vector.broadcast %reduce_max3A_370 : i32 to vector<16xi32>
      %reduce_max3A_372 = arith.xori %select_n3A_367, %reduce_max3A_371 : vector<16xi32>
      %reduce_max3A_373 = tpu.scan <max>, %reduce_max3A_372 masked %reduce_max3A_369 : vector<16xi32>, vector<16xi1> -> vector<16xi32>
      %reduce_max3A_374 = arith.xori %reduce_max3A_373, %reduce_max3A_371 : vector<16xi32>
      %reduce_max3A_375 = vector.extract %reduce_max3A_374[15] : i32 from vector<16xi32>
      %shift_right_arithmetic3A_376 = arith.constant 3 : i32
      %shift_right_arithmetic3A_377 = arith.shrsi %reduce_max3A_375, %shift_right_arithmetic3A_376 : i32
      %and3A_378 = arith.constant 7 : i32
      %and3A_379 = arith.andi %reduce_max3A_375, %and3A_378 : i32
      %mul3A_380 = arith.constant 16 : i32
      %mul3A_381 = arith.muli %scan3A_14, %mul3A_380 : i32
      %add3A_382 = arith.constant 11 : i32
      %add3A_383 = arith.addi %mul3A_381, %add3A_382 : i32
      %dma_start3A_384 = arith.constant 0 : i32
      %dma_start3A_385 = arith.constant 0 : i32
      %dma_start3A_386 = tpu.memref_slice %arg6[%add3A_383, %dma_start3A_384, %dma_start3A_385] : memref<512x1x64xf32, #tpu.memory_space<vmem>> -> memref<1x1x64xf32, #tpu.memory_space<vmem>>
      %dma_start3A_387 = arith.constant 0 : i32
      %dma_start3A_388 = tpu.memref_slice %arg3[%shift_right_arithmetic3A_377, %and3A_379, %dma_start3A_387] : memref<125000x8x64xf32, #tpu.memory_space<hbm>> -> memref<1x1x64xf32, #tpu.memory_space<hbm>>
      %dma_start3A_389 = arith.constant 0 : i32
      %dma_start3A_390 = arith.constant 0 : i32
      %dma_start3A_391 = tpu.memref_slice %arg6[%add3A_383, %dma_start3A_389, %dma_start3A_390] : memref<512x1x64xf32, #tpu.memory_space<vmem>> -> memref<1x1x64xf32, #tpu.memory_space<vmem>>
      %dma_start3A_392 = arith.constant 0 : i32
      %dma_start3A_393 = tpu.memref_slice %arg3[%shift_right_arithmetic3A_377, %and3A_379, %dma_start3A_392] : memref<125000x8x64xf32, #tpu.memory_space<hbm>> -> memref<1x1x64xf32, #tpu.memory_space<hbm>>
      tpu.enqueue_dma source(%dma_start3A_393 : memref<1x1x64xf32, #tpu.memory_space<hbm>>) target(%dma_start3A_391 : memref<1x1x64xf32, #tpu.memory_space<vmem>>) target_semaphore(%arg7 : memref<!tpu.dma_semaphore, #tpu.memory_space<semaphore_mem>>)
      %eq3A_394 = arith.constant 12 : i32
      %eq3A_395 = vector.broadcast %eq3A_394 : i32 to vector<16xi32>
      %eq3A_396 = arith.cmpi eq, %iota3A, %eq3A_395 : vector<16xi32>
      %jit3A_397 = arith.constant 0 : i32
      %broadcast_in_dim3A_398 = vector.broadcast %jit3A_397 : i32 to vector<16xi32>
      %select_n3A_399 = arith.select %eq3A_396, %get3A_17, %broadcast_in_dim3A_398 : vector<16xi1>, vector<16xi32>
      %reduce_max3A_400 = arith.constant true
      %reduce_max3A_401 = vector.broadcast %reduce_max3A_400 : i1 to vector<16xi1>
      %reduce_max3A_402 = arith.constant -2147483648 : i32
      %reduce_max3A_403 = vector.broadcast %reduce_max3A_402 : i32 to vector<16xi32>
      %reduce_max3A_404 = arith.xori %select_n3A_399, %reduce_max3A_403 : vector<16xi32>
      %reduce_max3A_405 = tpu.scan <max>, %reduce_max3A_404 masked %reduce_max3A_401 : vector<16xi32>, vector<16xi1> -> vector<16xi32>
      %reduce_max3A_406 = arith.xori %reduce_max3A_405, %reduce_max3A_403 : vector<16xi32>
      %reduce_max3A_407 = vector.extract %reduce_max3A_406[15] : i32 from vector<16xi32>
      %shift_right_arithmetic3A_408 = arith.constant 3 : i32
      %shift_right_arithmetic3A_409 = arith.shrsi %reduce_max3A_407, %shift_right_arithmetic3A_408 : i32
      %and3A_410 = arith.constant 7 : i32
      %and3A_411 = arith.andi %reduce_max3A_407, %and3A_410 : i32
      %mul3A_412 = arith.constant 16 : i32
      %mul3A_413 = arith.muli %scan3A_14, %mul3A_412 : i32
      %add3A_414 = arith.constant 12 : i32
      %add3A_415 = arith.addi %mul3A_413, %add3A_414 : i32
      %dma_start3A_416 = arith.constant 0 : i32
      %dma_start3A_417 = arith.constant 0 : i32
      %dma_start3A_418 = tpu.memref_slice %arg6[%add3A_415, %dma_start3A_416, %dma_start3A_417] : memref<512x1x64xf32, #tpu.memory_space<vmem>> -> memref<1x1x64xf32, #tpu.memory_space<vmem>>
      %dma_start3A_419 = arith.constant 0 : i32
      %dma_start3A_420 = tpu.memref_slice %arg3[%shift_right_arithmetic3A_409, %and3A_411, %dma_start3A_419] : memref<125000x8x64xf32, #tpu.memory_space<hbm>> -> memref<1x1x64xf32, #tpu.memory_space<hbm>>
      %dma_start3A_421 = arith.constant 0 : i32
      %dma_start3A_422 = arith.constant 0 : i32
      %dma_start3A_423 = tpu.memref_slice %arg6[%add3A_415, %dma_start3A_421, %dma_start3A_422] : memref<512x1x64xf32, #tpu.memory_space<vmem>> -> memref<1x1x64xf32, #tpu.memory_space<vmem>>
      %dma_start3A_424 = arith.constant 0 : i32
      %dma_start3A_425 = tpu.memref_slice %arg3[%shift_right_arithmetic3A_409, %and3A_411, %dma_start3A_424] : memref<125000x8x64xf32, #tpu.memory_space<hbm>> -> memref<1x1x64xf32, #tpu.memory_space<hbm>>
      tpu.enqueue_dma source(%dma_start3A_425 : memref<1x1x64xf32, #tpu.memory_space<hbm>>) target(%dma_start3A_423 : memref<1x1x64xf32, #tpu.memory_space<vmem>>) target_semaphore(%arg7 : memref<!tpu.dma_semaphore, #tpu.memory_space<semaphore_mem>>)
      %eq3A_426 = arith.constant 13 : i32
      %eq3A_427 = vector.broadcast %eq3A_426 : i32 to vector<16xi32>
      %eq3A_428 = arith.cmpi eq, %iota3A, %eq3A_427 : vector<16xi32>
      %jit3A_429 = arith.constant 0 : i32
      %broadcast_in_dim3A_430 = vector.broadcast %jit3A_429 : i32 to vector<16xi32>
      %select_n3A_431 = arith.select %eq3A_428, %get3A_17, %broadcast_in_dim3A_430 : vector<16xi1>, vector<16xi32>
      %reduce_max3A_432 = arith.constant true
      %reduce_max3A_433 = vector.broadcast %reduce_max3A_432 : i1 to vector<16xi1>
      %reduce_max3A_434 = arith.constant -2147483648 : i32
      %reduce_max3A_435 = vector.broadcast %reduce_max3A_434 : i32 to vector<16xi32>
      %reduce_max3A_436 = arith.xori %select_n3A_431, %reduce_max3A_435 : vector<16xi32>
      %reduce_max3A_437 = tpu.scan <max>, %reduce_max3A_436 masked %reduce_max3A_433 : vector<16xi32>, vector<16xi1> -> vector<16xi32>
      %reduce_max3A_438 = arith.xori %reduce_max3A_437, %reduce_max3A_435 : vector<16xi32>
      %reduce_max3A_439 = vector.extract %reduce_max3A_438[15] : i32 from vector<16xi32>
      %shift_right_arithmetic3A_440 = arith.constant 3 : i32
      %shift_right_arithmetic3A_441 = arith.shrsi %reduce_max3A_439, %shift_right_arithmetic3A_440 : i32
      %and3A_442 = arith.constant 7 : i32
      %and3A_443 = arith.andi %reduce_max3A_439, %and3A_442 : i32
      %mul3A_444 = arith.constant 16 : i32
      %mul3A_445 = arith.muli %scan3A_14, %mul3A_444 : i32
      %add3A_446 = arith.constant 13 : i32
      %add3A_447 = arith.addi %mul3A_445, %add3A_446 : i32
      %dma_start3A_448 = arith.constant 0 : i32
      %dma_start3A_449 = arith.constant 0 : i32
      %dma_start3A_450 = tpu.memref_slice %arg6[%add3A_447, %dma_start3A_448, %dma_start3A_449] : memref<512x1x64xf32, #tpu.memory_space<vmem>> -> memref<1x1x64xf32, #tpu.memory_space<vmem>>
      %dma_start3A_451 = arith.constant 0 : i32
      %dma_start3A_452 = tpu.memref_slice %arg3[%shift_right_arithmetic3A_441, %and3A_443, %dma_start3A_451] : memref<125000x8x64xf32, #tpu.memory_space<hbm>> -> memref<1x1x64xf32, #tpu.memory_space<hbm>>
      %dma_start3A_453 = arith.constant 0 : i32
      %dma_start3A_454 = arith.constant 0 : i32
      %dma_start3A_455 = tpu.memref_slice %arg6[%add3A_447, %dma_start3A_453, %dma_start3A_454] : memref<512x1x64xf32, #tpu.memory_space<vmem>> -> memref<1x1x64xf32, #tpu.memory_space<vmem>>
      %dma_start3A_456 = arith.constant 0 : i32
      %dma_start3A_457 = tpu.memref_slice %arg3[%shift_right_arithmetic3A_441, %and3A_443, %dma_start3A_456] : memref<125000x8x64xf32, #tpu.memory_space<hbm>> -> memref<1x1x64xf32, #tpu.memory_space<hbm>>
      tpu.enqueue_dma source(%dma_start3A_457 : memref<1x1x64xf32, #tpu.memory_space<hbm>>) target(%dma_start3A_455 : memref<1x1x64xf32, #tpu.memory_space<vmem>>) target_semaphore(%arg7 : memref<!tpu.dma_semaphore, #tpu.memory_space<semaphore_mem>>)
      %eq3A_458 = arith.constant 14 : i32
      %eq3A_459 = vector.broadcast %eq3A_458 : i32 to vector<16xi32>
      %eq3A_460 = arith.cmpi eq, %iota3A, %eq3A_459 : vector<16xi32>
      %jit3A_461 = arith.constant 0 : i32
      %broadcast_in_dim3A_462 = vector.broadcast %jit3A_461 : i32 to vector<16xi32>
      %select_n3A_463 = arith.select %eq3A_460, %get3A_17, %broadcast_in_dim3A_462 : vector<16xi1>, vector<16xi32>
      %reduce_max3A_464 = arith.constant true
      %reduce_max3A_465 = vector.broadcast %reduce_max3A_464 : i1 to vector<16xi1>
      %reduce_max3A_466 = arith.constant -2147483648 : i32
      %reduce_max3A_467 = vector.broadcast %reduce_max3A_466 : i32 to vector<16xi32>
      %reduce_max3A_468 = arith.xori %select_n3A_463, %reduce_max3A_467 : vector<16xi32>
      %reduce_max3A_469 = tpu.scan <max>, %reduce_max3A_468 masked %reduce_max3A_465 : vector<16xi32>, vector<16xi1> -> vector<16xi32>
      %reduce_max3A_470 = arith.xori %reduce_max3A_469, %reduce_max3A_467 : vector<16xi32>
      %reduce_max3A_471 = vector.extract %reduce_max3A_470[15] : i32 from vector<16xi32>
      %shift_right_arithmetic3A_472 = arith.constant 3 : i32
      %shift_right_arithmetic3A_473 = arith.shrsi %reduce_max3A_471, %shift_right_arithmetic3A_472 : i32
      %and3A_474 = arith.constant 7 : i32
      %and3A_475 = arith.andi %reduce_max3A_471, %and3A_474 : i32
      %mul3A_476 = arith.constant 16 : i32
      %mul3A_477 = arith.muli %scan3A_14, %mul3A_476 : i32
      %add3A_478 = arith.constant 14 : i32
      %add3A_479 = arith.addi %mul3A_477, %add3A_478 : i32
      %dma_start3A_480 = arith.constant 0 : i32
      %dma_start3A_481 = arith.constant 0 : i32
      %dma_start3A_482 = tpu.memref_slice %arg6[%add3A_479, %dma_start3A_480, %dma_start3A_481] : memref<512x1x64xf32, #tpu.memory_space<vmem>> -> memref<1x1x64xf32, #tpu.memory_space<vmem>>
      %dma_start3A_483 = arith.constant 0 : i32
      %dma_start3A_484 = tpu.memref_slice %arg3[%shift_right_arithmetic3A_473, %and3A_475, %dma_start3A_483] : memref<125000x8x64xf32, #tpu.memory_space<hbm>> -> memref<1x1x64xf32, #tpu.memory_space<hbm>>
      %dma_start3A_485 = arith.constant 0 : i32
      %dma_start3A_486 = arith.constant 0 : i32
      %dma_start3A_487 = tpu.memref_slice %arg6[%add3A_479, %dma_start3A_485, %dma_start3A_486] : memref<512x1x64xf32, #tpu.memory_space<vmem>> -> memref<1x1x64xf32, #tpu.memory_space<vmem>>
      %dma_start3A_488 = arith.constant 0 : i32
      %dma_start3A_489 = tpu.memref_slice %arg3[%shift_right_arithmetic3A_473, %and3A_475, %dma_start3A_488] : memref<125000x8x64xf32, #tpu.memory_space<hbm>> -> memref<1x1x64xf32, #tpu.memory_space<hbm>>
      tpu.enqueue_dma source(%dma_start3A_489 : memref<1x1x64xf32, #tpu.memory_space<hbm>>) target(%dma_start3A_487 : memref<1x1x64xf32, #tpu.memory_space<vmem>>) target_semaphore(%arg7 : memref<!tpu.dma_semaphore, #tpu.memory_space<semaphore_mem>>)
      %eq3A_490 = arith.constant 15 : i32
      %eq3A_491 = vector.broadcast %eq3A_490 : i32 to vector<16xi32>
      %eq3A_492 = arith.cmpi eq, %iota3A, %eq3A_491 : vector<16xi32>
      %jit3A_493 = arith.constant 0 : i32
      %broadcast_in_dim3A_494 = vector.broadcast %jit3A_493 : i32 to vector<16xi32>
      %select_n3A_495 = arith.select %eq3A_492, %get3A_17, %broadcast_in_dim3A_494 : vector<16xi1>, vector<16xi32>
      %reduce_max3A_496 = arith.constant true
      %reduce_max3A_497 = vector.broadcast %reduce_max3A_496 : i1 to vector<16xi1>
      %reduce_max3A_498 = arith.constant -2147483648 : i32
      %reduce_max3A_499 = vector.broadcast %reduce_max3A_498 : i32 to vector<16xi32>
      %reduce_max3A_500 = arith.xori %select_n3A_495, %reduce_max3A_499 : vector<16xi32>
      %reduce_max3A_501 = tpu.scan <max>, %reduce_max3A_500 masked %reduce_max3A_497 : vector<16xi32>, vector<16xi1> -> vector<16xi32>
      %reduce_max3A_502 = arith.xori %reduce_max3A_501, %reduce_max3A_499 : vector<16xi32>
      %reduce_max3A_503 = vector.extract %reduce_max3A_502[15] : i32 from vector<16xi32>
      %shift_right_arithmetic3A_504 = arith.constant 3 : i32
      %shift_right_arithmetic3A_505 = arith.shrsi %reduce_max3A_503, %shift_right_arithmetic3A_504 : i32
      %and3A_506 = arith.constant 7 : i32
      %and3A_507 = arith.andi %reduce_max3A_503, %and3A_506 : i32
      %mul3A_508 = arith.constant 16 : i32
      %mul3A_509 = arith.muli %scan3A_14, %mul3A_508 : i32
      %add3A_510 = arith.constant 15 : i32
      %add3A_511 = arith.addi %mul3A_509, %add3A_510 : i32
      %dma_start3A_512 = arith.constant 0 : i32
      %dma_start3A_513 = arith.constant 0 : i32
      %dma_start3A_514 = tpu.memref_slice %arg6[%add3A_511, %dma_start3A_512, %dma_start3A_513] : memref<512x1x64xf32, #tpu.memory_space<vmem>> -> memref<1x1x64xf32, #tpu.memory_space<vmem>>
      %dma_start3A_515 = arith.constant 0 : i32
      %dma_start3A_516 = tpu.memref_slice %arg3[%shift_right_arithmetic3A_505, %and3A_507, %dma_start3A_515] : memref<125000x8x64xf32, #tpu.memory_space<hbm>> -> memref<1x1x64xf32, #tpu.memory_space<hbm>>
      %dma_start3A_517 = arith.constant 0 : i32
      %dma_start3A_518 = arith.constant 0 : i32
      %dma_start3A_519 = tpu.memref_slice %arg6[%add3A_511, %dma_start3A_517, %dma_start3A_518] : memref<512x1x64xf32, #tpu.memory_space<vmem>> -> memref<1x1x64xf32, #tpu.memory_space<vmem>>
      %dma_start3A_520 = arith.constant 0 : i32
      %dma_start3A_521 = tpu.memref_slice %arg3[%shift_right_arithmetic3A_505, %and3A_507, %dma_start3A_520] : memref<125000x8x64xf32, #tpu.memory_space<hbm>> -> memref<1x1x64xf32, #tpu.memory_space<hbm>>
      tpu.enqueue_dma source(%dma_start3A_521 : memref<1x1x64xf32, #tpu.memory_space<hbm>>) target(%dma_start3A_519 : memref<1x1x64xf32, #tpu.memory_space<vmem>>) target_semaphore(%arg7 : memref<!tpu.dma_semaphore, #tpu.memory_space<semaphore_mem>>)
    }
    %scan3A_6 = arith.constant 32 : i32
    %dma_wait3A = arith.constant 0 : i32
    %dma_wait3A_7 = arith.constant 0 : i32
    %dma_wait3A_8 = arith.constant 0 : i32
    %dma_wait3A_9 = tpu.memref_slice %arg3[%dma_wait3A, %dma_wait3A_7, %dma_wait3A_8] : memref<125000x8x64xf32, #tpu.memory_space<hbm>> -> memref<512x1x64xf32, #tpu.memory_space<hbm>>
    %dma_wait3A_10 = arith.constant 0 : i32
    %dma_wait3A_11 = arith.constant 0 : i32
    %dma_wait3A_12 = arith.constant 0 : i32
    %dma_wait3A_13 = tpu.memref_slice %arg3[%dma_wait3A_10, %dma_wait3A_11, %dma_wait3A_12] : memref<125000x8x64xf32, #tpu.memory_space<hbm>> -> memref<512x1x64xf32, #tpu.memory_space<hbm>>
    tpu.wait_dma2 semaphore(%arg7 : memref<!tpu.dma_semaphore, #tpu.memory_space<semaphore_mem>>) src(%dma_wait3A_13 : memref<512x1x64xf32, #tpu.memory_space<hbm>>) dst(%arg6 : memref<512x1x64xf32, #tpu.memory_space<vmem>>)
    "tpu.region"() ({
      %run_scoped3A = tpu.sem_alloc : memref<!tpu.dma_semaphore, #tpu.memory_space<semaphore_mem>>
      %dma_start3A = arith.constant 0 : i32
      %dma_start3A_14 = arith.constant 0 : i32
      %dma_start3A_15 = tpu.memref_slice %arg4[%mul3A_2, %dma_start3A, %dma_start3A_14] : memref<16384x1x64xf32, #tpu.memory_space<hbm>> -> memref<512x1x64xf32, #tpu.memory_space<hbm>>
      %dma_start3A_16 = arith.constant 0 : i32
      %dma_start3A_17 = arith.constant 0 : i32
      %dma_start3A_18 = tpu.memref_slice %arg4[%mul3A_2, %dma_start3A_16, %dma_start3A_17] : memref<16384x1x64xf32, #tpu.memory_space<hbm>> -> memref<512x1x64xf32, #tpu.memory_space<hbm>>
      tpu.enqueue_dma source(%arg6 : memref<512x1x64xf32, #tpu.memory_space<vmem>>) target(%dma_start3A_18 : memref<512x1x64xf32, #tpu.memory_space<hbm>>) target_semaphore(%run_scoped3A : memref<!tpu.dma_semaphore, #tpu.memory_space<semaphore_mem>>)
      %dma_wait3A_19 = arith.constant 0 : i32
      %dma_wait3A_20 = arith.constant 0 : i32
      %dma_wait3A_21 = tpu.memref_slice %arg4[%mul3A_2, %dma_wait3A_19, %dma_wait3A_20] : memref<16384x1x64xf32, #tpu.memory_space<hbm>> -> memref<512x1x64xf32, #tpu.memory_space<hbm>>
      %dma_wait3A_22 = arith.constant 0 : i32
      %dma_wait3A_23 = arith.constant 0 : i32
      %dma_wait3A_24 = tpu.memref_slice %arg4[%mul3A_2, %dma_wait3A_22, %dma_wait3A_23] : memref<16384x1x64xf32, #tpu.memory_space<hbm>> -> memref<512x1x64xf32, #tpu.memory_space<hbm>>
      tpu.wait_dma2 semaphore(%run_scoped3A : memref<!tpu.dma_semaphore, #tpu.memory_space<semaphore_mem>>) src(%arg6 : memref<512x1x64xf32, #tpu.memory_space<vmem>>) dst(%dma_wait3A_24 : memref<512x1x64xf32, #tpu.memory_space<hbm>>)
      tpu.yield
    }) : () -> ()
    return
  }
}

</mosaic_0001>

<sc_bundles>
// kernel: kernel.3.cloned.1.call-start
scs
__scs_entry_jumppad:
0x0: {  	(pc) =	sbr.rel $0x88, $3  }
0x1: {  	(tag) =	ssettag $0x0;
	lr =	simm.s32 $0x1  }
0x2: {  	[smem:$0x3F9F] =	sst lr;
	_ =	strace $0xD0000000  }
0x3: {  	_ = 	snop  }
0x4: {  	_ = 	snop  }
0x5: {  	_ = 	snop  }
0x6: {  	_ = 	snop  }
0x7: {  	_ = 	snop  }
__scs_overlays_trampoline_lowered:
0x8: {  	[smem:$0x3FAE] =	sst s0  }
0x9: {  	[smem:$0x3FAF] =	sst s1  }
0xa: {  	[smem:$0x3FB0] =	sst s2  }
0xb: {  	[smem:$0x3FB1] =	sst s3  }
0xc: {  	[smem:$0x3FB2] =	sst s4  }
0xd: {  	[smem:$0x3FB3] =	sst s5  }
0xe: {  	[smem:$0x3FB4] =	sst s6  }
0xf: {  	[smem:$0x3FB5] =	sst s7  }
0x10: {  	[smem:$0x3FB6] =	sst s8  }
0x11: {  	[smem:$0x3FB7] =	sst s9;
	s0 =	simm.s32 @!p0 $0x0  }
0x12: {  	s1 =	sld [smem:$0x3F9D];
	s0 =	simm.s32 @p0 $0x1  }
0x13: {  	[smem:$0x3FB8] =	sst s0;
	s0 =	simm.s32 @!p1 $0x0  }
0x14: {  	s2 =	sld [smem:$0x3F9C];
	s0 =	simm.s32 @p1 $0x1  }
0x15: {  	[smem:$0x3FB9] =	sst s0;
	s0 =	simm.s32 @!p2 $0x0  }
0x16: {  	s3 =	sld [smem:$0x3FDB];
	s0 =	simm.s32 @p2 $0x1  }
0x17: {  	s4 =	simm.s32 $0x1BF5;
	[smem:$0x3FBB] =	sst s0  }
0x18: {  	s0 =	sld [smem:$0x3F9E];
	_ =	swait.ge [sflag:s4], $0x0  }
0x19: {  	s7 =	sld [smem:$0x3F9F]  }
0x1a: {  	s8 =	sadd.s32 $0xFFFFE003, lr  }
0x1b: {  	s9 =	sadd.s32 $0xFFFFFEF7, lr;
	s5 =	simm.s32 $0xFFFFFFFF;
	p2 =	slt.u32 s8, $0xFFFFF086  }
0x1c: {  	p1 =	slt.u32 s9, $0xF7A;
	s5 =	simm.s32 @!p2 $0x0  }
0x1d: {  	s5 =	simm.s32 @p1 $0x1;
	p0 =	seq.s32 s7, s2  }
0x1e: {  	s7 =	smul.u32 @!p0 $0xF7A, s2;
	p2 =	seq.s32 @!p0 s5, $0x0  }
0x1f: {  	s9 =	smul.u32 $0xF7A, s1;
	s8 =	simm.s32 @!p0 $0x1BF5;
	p2 =	por !p2, p0  }
0x20: {  	[sflag:s8] =	ssyncset.s32 @!p0 $0xFFFFF086;
	s6 =	sadd.s32 @!p0 s3, s7;
	s7 =	simm.s32 @!p0 $0x108  }
0x21: {  	s3 =	sadd.s32 s3, s9;
	s6 =	sadd.s32 @!p0 $0x88, s6;
	s7 =	simm.s32 @p2 $0x1082  }
0x22: {  	[simem:s7], [sflag:s8] =	dma.local @!p0 [hbm:s6], $0xF7A  }
0x23: {  	s9 =	sor.u32 $0xD0000000, s2;
	s6 =	simm.s32 $0x108;
	_ =	swait.ge @!p0 [sflag:s8], $0x0  }
0x24: {  	s3 =	sadd.s32 $0x88, s3;
	s6 =	simm.s32 @!p1 $0x1082;
	[sflag:s4] =	ssyncset.s32 $0xFFFFF086  }
0x25: {  	[simem:s6], [sflag:s4] =	dma.local [hbm:s3], $0xF7A  }
0x26: {  	[smem:$0x3F9F] =	sst s1;
	(tag) =	ssettag s2;
	_ =	strace s9  }
0x27: {  	s1 =	sld [smem:$0x3FAF]  }
0x28: {  	s2 =	sld [smem:$0x3FB0]  }
0x29: {  	s4 =	sld [smem:$0x3FB2]  }
0x2a: {  	p0 =	seq.s32 s5, $0x0;
	s5 =	sld [smem:$0x3FB3]  }
0x2b: {  	s6 =	sld [smem:$0x3FB4]  }
0x2c: {  	s7 =	sld [smem:$0x3FB5]  }
0x2d: {  	s3 =	simm.s32 $0x108;
	s8 =	sld [smem:$0x3FB6]  }
0x2e: {  	s3 =	simm.s32 @!p0 $0x1082;
	s9 =	sld [smem:$0x3FB7]  }
0x2f: {  	lr =	sadd.s32 s0, s3;
	s0 =	sld [smem:$0x3FAE]  }
0x30: {  	s3 =	sld [smem:$0x3FB1]  }
0x31: {  	[smem:$0x3FBA] =	sst s10  }
0x32: {  	s10 =	sld [smem:$0x3FB8];
	_ =	sdelay $0x3  }
0x33: {  	p0 =	seq.s32 s10, $0x1;
	s10 =	sld [smem:$0x3FBA];
	_ =	sdelay $0x3  }
0x34: {  	[smem:$0x3FBA] =	sst s10  }
0x35: {  	s10 =	sld [smem:$0x3FB9];
	_ =	sdelay $0x3  }
0x36: {  	p1 =	seq.s32 s10, $0x1;
	s10 =	sld [smem:$0x3FBA];
	_ =	sdelay $0x3  }
0x37: {  	[smem:$0x3FBA] =	sst s10  }
0x38: {  	s10 =	sld [smem:$0x3FBB]  }
0x39: {  	_ = 	snop;
	(pc) =	sbr.ind lr, $3  }
0x3a: {  	_ = 	snop  }
0x3b: {  	_ = 	snop  }
0x3c: {  	p2 =	seq.s32 s10, $0x1;
	s10 =	sld [smem:$0x3FBA]  }
0x3d: {  	_ =	shalt  }
0x3e: {  	_ =	shalt  }
0x3f: {  	_ =	shalt  }
0x40: {  	_ =	shalt  }
0x41: {  	_ =	shalt  }
0x42: {  	_ =	shalt  }
0x43: {  	_ =	shalt  }
0x44: {  	_ =	shalt  }
0x45: {  	_ =	shalt  }
0x46: {  	_ =	shalt  }
0x47: {  	_ =	shalt  }
0x48: {  	_ =	shalt  }
0x49: {  	_ =	shalt  }
0x4a: {  	_ =	shalt  }
0x4b: {  	_ =	shalt  }
0x4c: {  	_ =	shalt  }
0x4d: {  	_ =	shalt  }
0x4e: {  	_ =	shalt  }
0x4f: {  	_ =	shalt  }
0x50: {  	_ =	shalt  }
0x51: {  	_ =	shalt  }
0x52: {  	_ =	shalt  }
0x53: {  	_ =	shalt  }
0x54: {  	_ =	shalt  }
0x55: {  	_ =	shalt  }
0x56: {  	_ =	shalt  }
0x57: {  	_ =	shalt  }
0x58: {  	_ =	shalt  }
0x59: {  	_ =	shalt  }
0x5a: {  	_ =	shalt  }
0x5b: {  	_ =	shalt  }
0x5c: {  	_ =	shalt  }
0x5d: {  	_ =	shalt  }
0x5e: {  	_ =	shalt  }
0x5f: {  	_ =	shalt  }
0x60: {  	_ =	shalt  }
0x61: {  	_ =	shalt  }
0x62: {  	_ =	shalt  }
0x63: {  	_ =	shalt  }
0x64: {  	_ =	shalt  }
0x65: {  	_ =	shalt  }
0x66: {  	_ =	shalt  }
0x67: {  	_ =	shalt  }
0x68: {  	_ =	shalt  }
0x69: {  	_ =	shalt  }
0x6a: {  	_ =	shalt  }
0x6b: {  	_ =	shalt  }
0x6c: {  	_ =	shalt  }
0x6d: {  	_ =	shalt  }
0x6e: {  	_ =	shalt  }
0x6f: {  	_ =	shalt  }
0x70: {  	_ =	shalt  }
0x71: {  	_ =	shalt  }
0x72: {  	_ =	shalt  }
0x73: {  	_ =	shalt  }
0x74: {  	_ =	shalt  }
0x75: {  	_ =	shalt  }
0x76: {  	_ =	shalt  }
0x77: {  	_ =	shalt  }
0x78: {  	_ =	shalt  }
0x79: {  	_ =	shalt  }
0x7a: {  	_ =	shalt  }
0x7b: {  	_ =	shalt  }
0x7c: {  	_ =	shalt  }
0x7d: {  	_ =	shalt  }
0x7e: {  	_ =	shalt  }
0x7f: {  	_ =	shalt  }
0x80: {  	_ =	shalt  }
0x81: {  	_ =	shalt  }
0x82: {  	_ =	shalt  }
0x83: {  	_ =	shalt  }
0x84: {  	_ =	shalt  }
0x85: {  	_ =	shalt  }
0x86: {  	_ =	shalt  }
0x87: {  	_ =	shalt  }
.Lfunc_end0:
.L_simem_size_0:
called_computation_lowered:
.L_overlay_start_0:
0x88: {  	s2 =	sld [smem:$0x3FD9]  }
0x89: {  	s3 =	sld [smem:$0x3FFE];
	_ =	sdelay $0x1  }
0x8a: {  	s1 =	srdreg.scid  }
0x8b: {  	s0 =	sand.u32 $0x1, s1  }
0x8c: {  	s17 =	sshll.u32 s0, $0xA;
	s2 =	sadd.s32 s3, s2  }
0x8d: {  	s2 =	sadd.s32 s2, s17  }
0x8e: {  	[smem:$0x3FC6] =	sst s2  }
0x8f: {  	_ = 	snop  }
0x90: {  	s2 =	sld [smem:$0x3FC9];
	(tm) =	ssettm $0x1  }
0x91: {  	s18 =	sld [smem:$0x3FFB];
	_ =	sdelay $0x3  }
0x92: {  	_ =	strace s18  }
0x93: {  	s3 =	sld [smem:$0x3FFC];
	_ =	sdelay $0x3  }
0x94: {  	_ =	strace s3  }
0x95: {  	s3 =	sld [smem:$0x3FFD];
	_ =	sdelay $0x3  }
0x96: {  	_ =	strace s3  }
0x97: {  	_ =	strace $0x8FFFFFFF  }
0x98: {  	s19 =	sld [smem:$0x3FDB];
	_ =	sdelay $0x1  }
0x99: {  	s4 =	simm.s32 $_scs_section_size  }
0x9a: {  	s5 =	simm.s32 $_size__tile_overlayer_lowered;
	s6 =	simm.s32 $_tile_overlayer_lowered  }
0x9b: {  	s22 =	simm.s32 $0x1BFF;
	s21 =	sshll.u32 s6, $0x1;
	s3 =	sadd.s32 s4, s19  }
0x9c: {  	s7 =	simm.s32 $0x0;
	s20 =	sshll.u32 s5, $0x1;
	s5 =	sadd.s32 s21, s3  }
0x9d: {  	[timem:s7], [sflag:s22] =	dma.local [hbm:s5], s20  }
0x9e: {  	_ =	swait.ge [sflag:s22], s20  }
0x9f: {  	s4 =	ssub.s32 $0x0, s20;
	[sflag:s22] =	ssyncset.done $0x0  }
0xa0: {  	[sflag:s22] =	ssyncadd.s32 s4;
	_ =	sdelay $0x1  }
0xa1: {  	s23 =	simm.s32 $0x1B8B  }
0xa2: {  	_ =	swait.ge [sflag:s23], $0x1  }
0xa3: {  	[sflag:s23] =	ssyncset.done $0x0  }
0xa4: {  	s25 =	simm.s32 $0x1B8E;
	s24 =	sld [smem:$0x3FFE];
	[sflag:s23] =	ssyncadd.s32 $0xFFFFFFFF  }
0xa5: {  	s26 =	simm.s32 $execute0_lowered;
	[smem:$0x3FD2] =	sst s25  }
0xa6: {  	s5 =	sshll.u32 s26, $0x1;
	_ =	strace $0x80000046;
	[dreg:$0x1] =	wrdreg $0xFFFFFFFF  }
0xa7: {  	s28 =	simm.s32 $_size_execute0_lowered;
	s3 =	sadd.s32 s3, s5;
	[dreg:$0x0] =	wrdreg $0x0  }
0xa8: {  	s5 =	sshll.u32 s28, $0x1;
	[dreg:$0x2] =	wrdreg s3  }
0xa9: {  	[dreg:$0x3] =	wrdreg s5  }
0xaa: {  	[dreg:$0x4] =	wrdreg $0xC0  }
0xab: {  	_ =	task [dreg:s7], $0x5FFFF  }
0xac: {  	[dreg:$0x1] =	wrdreg $0xFFFFFFFF  }
0xad: {  	[dreg:$0x0] =	wrdreg $0x60  }
0xae: {  	[dreg:$0x2] =	wrdreg s2  }
0xaf: {  	[dreg:$0x3] =	wrdreg s24  }
0xb0: {  	[dreg:$0x4] =	wrdreg $0x9  }
0xb1: {  	_ =	task.clear_ibuf [dreg:s7], $0x5FFFF;
	_ =	strace $0x90000046  }
0xb2: {  	s29 =	simm.s32 $0x9;
	_ =	strace $0x80000048  }
0xb3: {  	_ =	swait.ge [sflag:s29], $0x1  }
0xb4: {  	[sflag:s29] =	ssyncadd.s32 $0xFFFFFFFF  }
0xb5: {  	_ =	strace $0x90000048  }
0xb6: {  	_ =	sfence  }
0xb7: {  	s30 =	sld [smem:$0x0];
	_ =	sdelay $0x2  }
0xb8: {  	s31 =	sshll.u32 s1, $0xD;
	s1 =	sshrl.u32 s1, $0x2  }
0xb9: {  	s3 =	sand.u32 $0x4000, s31;
	s1 =	sadd.s32 s1, s30  }
0xba: {  	s0 =	sor.u32 s3, s0;
	s1 =	sshll.u32 s1, $0x11  }
0xbb: {  	s0 =	sor.u32 s1, s0  }
0xbc: {  	s0 =	sadd.s32 $0x8F2B, s0  }
0xbd: {  	[sflag:s0] =	ssyncadd.remote.s32 $0x1  }
0xbe: {  	_ =	sfence.sel $0xFFFF  }
0xbf: {  	[dreg:$0x0] =	wrdreg $0xFFFFFFFF;
	(pc) =	sbr.abs _section_cstart, $3  }
0xc0: {  	[dreg:$0x1] =	wrdreg $0xFFFFFFFF  }
0xc1: {  	_ =	task.clear_ibuf [dreg:s7], $0x2FFFF;
	_ =	strace $0x9FFFFFFF  }
0xc2: {  	(tm) =	ssettm $0x7FFFFFFF  }
0xc3: {  	_ =	shalt  }
tec
execute0_lowered:
.L_overlay_start_1:
0x0: {  	(tag) =	ssettag $0x1  }
0x1: {  	s0 =	rddreg [dreg:$0x0]  }
0x2: {  	s1 =	rddreg [dreg:$0x1];
	s2 =	simm.s32 $0x0  }
0x3: {  	s3 =	srdreg.scid;
	s5 =	stileid.u32;
	s8 =	simm.s32 $0x1  }
0x4: {  	vm0 =	vmmov $0x1;
	s10 =	simm.s32 $0x0;
	[smem:$0x7FF] =	sst s2;
	s4 =	sand.u32 $0x1, s3  }
0x5: {  	vm1 =	vcmask $0x308;
	vm2 =	vcmask $0x70C;
	vm3 =	vcmask $0xB10;
	s5 =	sshll.u32 s5, $0xA;
	s3 =	sadd.s32 $0x400, s1;
	s6 =	sshll.u32 s4, $0x9  }
0x6: {  	vm4 =	vcmask $0xF14;
	vm5 =	vcmask $0x1318;
	vm6 =	vcmask $0x171C;
	_ =	strace $0x80000047;
	s4 =	ssub.s32 $0x2, s4;
	s5 =	sor.u32 s6, s5  }
0x7: {  	vm7 =	vcmask $0x1B20;
	vm8 =	vcmask $0x1F24;
	vm9 =	vcmask $0x2328;
	s7 =	sshrl.u32 s4, $0x1;
	s6 =	sshll.u32 s5, $0x4;
	s5 =	sshrl.u32 s5, $0x3  }
0x8: {  	vm10 =	vcmask $0x272C;
	vm11 =	vcmask $0x2B30;
	vm12 =	vcmask $0x2F34;
	s31 =	ssub.s32 s4, s7;
	s7 =	simm.s32 $0x2;
	s1 =	sadd.s32 s6, s1  }
0x9: {  	vm13 =	vcmask $0x3338;
	vm14 =	vcmask $0x373C;
	vm15 =	vmmov $0x7fff;
	s4 =	sadd.s32 s0, s5;
	s6 =	smax.u32 s31, $0x1;
	s5 =	sadd.s32 $0xF42800, s1  }
.LBB2_1:
0xa: {  	[tilespmem:s2], [sflag:$0x2] =	stream.linear.gather [hbm4b:s4+s2], $0x200, $0x38;
	[tilespmem:$0x10200] =	vst v63  }
0xb: {  	_ =	swait.ge [sflag:s7], $0x200  }
0xc: {  	[sflag:s7] =	ssyncset.done $0x0  }
0xd: {  	[sflag:s7] =	ssyncadd.s32 $0xFFFFFE00  }
0xe: {  	v0 =	vld [tilespmem:s2+$0x0];
	_ =	sdelay $0x4  }
0xf: {  	v1 =	vsel vm3, $0x0, v0  }
0x10: {  	v2 =	vnsel vm0, $0x0, v0;
	v1 =	vxor.u32 $0x80000000, v1  }
0x11: {  	v2 =	vxor.u32 $0x80000000, v2;
	(xrf0) =	vmax.scan.msk.u32 $0xffff, v1;
	v1 =	vsel vm7, $0x0, v0  }
0x12: {  	(xrf0) =	vmax.scan.msk.u32 $0xffff, v2;
	v2 =	vsel vm1, $0x0, v0;
	v1 =	vxor.u32 $0x80000000, v1  }
0x13: {  	v2 =	vxor.u32 $0x80000000, v2;
	(xrf0) =	vmax.scan.msk.u32 $0xffff, v1;
	v1 =	vsel vm6, $0x0, v0  }
0x14: {  	(xrf0) =	vmax.scan.msk.u32 $0xffff, v2;
	v2 =	vsel vm2, $0x0, v0;
	v1 =	vxor.u32 $0x80000000, v1  }
0x15: {  	v2 =	vxor.u32 $0x80000000, v2;
	_ =	sdelay $0x1  }
0x16: {  	(xrf0) =	vmax.scan.msk.u32 $0xffff, v1;
	v1, _, _ =	vpop (xrf0)  }
0x17: {  	(xrf0) =	vmax.scan.msk.u32 $0xffff, v2;
	v2, _, _ =	vpop (xrf0);
	(v2sf) =	vpush v1, $0xF  }
0x18: {  	(v2sf) =	vpush v2, $0xF;
	v1, _, _ =	vpop (xrf0)  }
0x19: {  	(v2sf) =	vpush v1, $0xF;
	_ =	sdelay $0x2  }
0x1a: {  	v1 =	vsel vm4, $0x0, v0  }
0x1b: {  	v2, _, _ =	vpop (xrf0);
	v1 =	vxor.u32 $0x80000000, v1  }
0x1c: {  	v3 =	vsel vm5, $0x0, v0;
	(v2sf) =	vpush v2, $0xF;
	v2, _, _ =	vpop (xrf0);
	(xrf0) =	vmax.scan.msk.u32 $0xffff, v1  }
0x1d: {  	(v2sf) =	vpush v2, $0xF;
	v2 =	vxor.u32 $0x80000000, v3;
	v3 =	vsel vm8, $0x0, v0  }
0x1e: {  	v1 =	vsel vm9, $0x0, v0;
	v3 =	vxor.u32 $0x80000000, v3;
	(xrf0) =	vmax.scan.msk.u32 $0xffff, v2  }
0x1f: {  	v1 =	vxor.u32 $0x80000000, v1;
	v2 =	vsel vm10, $0x0, v0;
	(xrf0) =	vmax.scan.msk.u32 $0xffff, v3  }
0x20: {  	v4, _, _ =	vpop (xrf0);
	v2 =	vxor.u32 $0x80000000, v2;
	v3 =	vsel vm11, $0x0, v0;
	(xrf0) =	vmax.scan.msk.u32 $0xffff, v1  }
0x21: {  	(v2sf) =	vpush v4, $0xF;
	v3 =	vxor.u32 $0x80000000, v3;
	(xrf0) =	vmax.scan.msk.u32 $0xffff, v2  }
0x22: {  	(xrf0) =	vmax.scan.msk.u32 $0xffff, v3;
	v3 =	vsel vm14, $0x0, v0;
	v4, _, _ =	vpop (xrf0)  }
0x23: {  	v1 =	vsel vm12, $0x0, v0;
	(v2sf) =	vpush v4, $0xF  }
0x24: {  	v1 =	vxor.u32 $0x80000000, v1;
	s1 =	spop (v2sf)  }
0x25: {  	(xrf0) =	vmax.scan.msk.u32 $0xffff, v1;
	v1 =	vxor.u32 $0x80000000, v3;
	v3, _, _ =	vpop (xrf0);
	s26 =	spop (v2sf)  }
0x26: {  	s12 =	simm.s32 $0x2000;
	s11 =	simm.s32 $0x0;
	v2 =	vsel vm13, $0x0, v0;
	s29 =	spop (v2sf);
	(v2sf) =	vpush v3, $0xF  }
0x27: {  	s17 =	simm.s32 $0x300;
	s14 =	simm.s32 $0x400;
	s0 =	simm.s32 $0x200;
	v2 =	vxor.u32 $0x80000000, v2  }
0x28: {  	s20 =	simm.s32 $0x280;
	s16 =	simm.s32 $0x480;
	s18 =	simm.s32 $0x500;
	v0 =	vsel vm15, $0x0, v0;
	(xrf0) =	vmax.scan.msk.u32 $0xffff, v2  }
0x29: {  	s23 =	simm.s32 $0x380;
	s15 =	simm.s32 $0x880;
	s13 =	simm.s32 $0x10;
	v0 =	vxor.u32 $0x80000000, v0;
	v5, _, _ =	vpop (xrf0);
	(xrf0) =	vmax.scan.msk.u32 $0xffff, v1  }
0x2a: {  	s22 =	simm.s32 $0x700;
	s21 =	simm.s32 $0x780;
	s19 =	simm.s32 $0x800;
	v6, _, _ =	vpop (xrf0);
	(xrf0) =	vmax.scan.msk.u32 $0xffff, v0;
	(v2sf) =	vpush v5, $0xF  }
0x2b: {  	s25 =	simm.s32 $0x600;
	s24 =	simm.s32 $0x680;
	v7, _, _ =	vpop (xrf0);
	s26 =	sshll.u32 s26, $0x4  }
0x2c: {  	s28 =	simm.s32 $0x580;
	s1 =	sshll.u32 s1, $0x4;
	v4, _, _ =	vpop (xrf0);
	s26 =	sand.u32 $0x1FFFFFF0, s26;
	(v2sf) =	vpush v6, $0xF  }
0x2d: {  	v3, _, _ =	vpop (xrf0);
	s30 =	sand.u32 $0x1FFFFFF0, s1;
	s9 =	spop (v2sf);
	s26 =	sadd.s32 s3, s26  }
0x2e: {  	v2, _, _ =	vpop (xrf0);
	[tilespmem:s0], [sflag:$0x1] =	stream.linear.gather [hbm4b:s26+s2], $0x80, $0x38;
	[tilespmem:$0x10200] =	vst v63  }
0x2f: {  	s29 =	sshll.u32 s29, $0x4;
	v1, _, _ =	vpop (xrf0);
	s9 =	sshll.u32 s9, $0x4;
	s26 =	spop (v2sf)  }
0x30: {  	v0, _, _ =	vpop (xrf0);
	s0 =	sand.u32 $0x1FFFFFF0, s9;
	(v2sf) =	vpush v7, $0xF;
	s31 =	sshll.u32 s26, $0x4;
	s1 =	spop (v2sf)  }
.LBB2_2:
0x31: {  	s0 =	sadd.s32 s3, s0  }
0x32: {  	s1 =	sshll.u32 s1, $0x4;
	s9 =	spop (v2sf);
	(v2sf) =	vpush v4, $0xF;
	s26 =	smov.u32 s12  }
0x33: {  	[tilespmem:s20], [sflag:$0x1] =	stream.linear.gather [hbm4b:s0+s2], $0x80, $0x38;
	[tilespmem:$0x10200] =	vst v63  }
0x34: {  	s0 =	sand.u32 $0x1FFFFFF0, s1;
	s1 =	sshll.u32 s9, $0x4;
	s9 =	sand.u32 $0x1FFFFFF0, s31  }
0x35: {  	s0 =	sadd.s32 s3, s0;
	s1 =	sand.u32 $0x1FFFFFF0, s1;
	s20 =	spop (v2sf)  }
0x36: {  	[tilespmem:s17], [sflag:$0x1] =	stream.linear.gather [hbm4b:s0+s2], $0x80, $0x38;
	(v2sf) =	vpush v3, $0xF;
	[tilespmem:$0x10200] =	vst v63  }
0x37: {  	s0 =	sadd.s32 s3, s30;
	s17 =	sshll.u32 s20, $0x4;
	s20 =	sand.u32 $0x1FFFFFF0, s29  }
0x38: {  	[tilespmem:s23], [sflag:$0x1] =	stream.linear.gather [hbm4b:s0+s2], $0x80, $0x38;
	(v2sf) =	vpush v2, $0xF;
	[tilespmem:$0x10200] =	vst v63  }
0x39: {  	s0 =	sadd.s32 s3, s1;
	s1 =	sand.u32 $0x1FFFFFF0, s17;
	s17 =	spop (v2sf)  }
0x3a: {  	[tilespmem:s14], [sflag:$0x1] =	stream.linear.gather [hbm4b:s0+s2], $0x80, $0x38;
	(v2sf) =	vpush v1, $0xF;
	[tilespmem:$0x10200] =	vst v63  }
0x3b: {  	s0 =	sadd.s32 s3, s1;
	s1 =	sshll.u32 s17, $0x4;
	s14 =	spop (v2sf)  }
0x3c: {  	[tilespmem:s16], [sflag:$0x1] =	stream.linear.gather [hbm4b:s0+s2], $0x80, $0x38;
	[tilespmem:$0x10200] =	vst v63  }
0x3d: {  	s1 =	sand.u32 $0x1FFFFFF0, s1;
	s0 =	sadd.s32 s3, s9;
	s9 =	sshll.u32 s14, $0x4;
	(v2sf) =	vpush v0, $0xF  }
0x3e: {  	[tilespmem:s18], [sflag:$0x1] =	stream.linear.gather [hbm4b:s0+s2], $0x80, $0x38;
	[tilespmem:$0x10200] =	vst v63  }
0x3f: {  	s9 =	sand.u32 $0x1FFFFFF0, s9;
	s0 =	sadd.s32 s3, s20;
	s14 =	spop (v2sf)  }
0x40: {  	[tilespmem:s28], [sflag:$0x1] =	stream.linear.gather [hbm4b:s0+s2], $0x80, $0x38;
	[tilespmem:$0x10200] =	vst v63  }
0x41: {  	s0 =	sadd.s32 s3, s1;
	s1 =	sshll.u32 s14, $0x4;
	s14 =	spop (v2sf)  }
0x42: {  	[tilespmem:s25], [sflag:$0x1] =	stream.linear.gather [hbm4b:s0+s2], $0x80, $0x38;
	[tilespmem:$0x10200] =	vst v63  }
0x43: {  	s1 =	sand.u32 $0x1FFFFFF0, s1;
	s0 =	sadd.s32 s3, s9;
	s9 =	sshll.u32 s14, $0x4  }
0x44: {  	[tilespmem:s24], [sflag:$0x1] =	stream.linear.gather [hbm4b:s0+s2], $0x80, $0x38;
	[tilespmem:$0x10200] =	vst v63  }
0x45: {  	s0 =	sadd.s32 s3, s1;
	s1 =	sand.u32 $0x1FFFFFF0, s9;
	s9 =	spop (v2sf)  }
0x46: {  	[tilespmem:s22], [sflag:$0x1] =	stream.linear.gather [hbm4b:s0+s2], $0x80, $0x38;
	[tilespmem:$0x10200] =	vst v63  }
0x47: {  	s0 =	sadd.s32 s3, s1;
	s1 =	sshll.u32 s9, $0x4;
	s9 =	spop (v2sf)  }
0x48: {  	[tilespmem:s21], [sflag:$0x1] =	stream.linear.gather [hbm4b:s0+s2], $0x80, $0x38;
	[tilespmem:$0x10200] =	vst v63  }
0x49: {  	s0 =	sand.u32 $0x1FFFFFF0, s1;
	s1 =	sshll.u32 s9, $0x4;
	s9 =	spop (v2sf)  }
0x4a: {  	s0 =	sadd.s32 s3, s0;
	s1 =	sand.u32 $0x1FFFFFF0, s1;
	s9 =	sshll.u32 s9, $0x4  }
0x4b: {  	[tilespmem:s19], [sflag:$0x1] =	stream.linear.gather [hbm4b:s0+s2], $0x80, $0x38;
	[tilespmem:$0x10200] =	vst v63  }
0x4c: {  	s0 =	sadd.s32 s3, s1;
	s1 =	sand.u32 $0x1FFFFFF0, s9;
	s9 =	spop (v2sf)  }
0x4d: {  	[tilespmem:s15], [sflag:$0x1] =	stream.linear.gather [hbm4b:s0+s2], $0x80, $0x38;
	[tilespmem:$0x10200] =	vst v63  }
0x4e: {  	s1 =	sadd.s32 s3, s1;
	s0 =	sadd.s32 $0x900, s11;
	s9 =	sshll.u32 s9, $0x4  }
0x4f: {  	[tilespmem:s0], [sflag:$0x1] =	stream.linear.gather [hbm4b:s1+s2], $0x80, $0x38;
	[tilespmem:$0x10200] =	vst v63  }
0x50: {  	p0 =	sne.s32 s12, $0x3E000;
	s12 =	sadd.s32 $0x2000, s12;
	s0 =	sand.u32 $0x1FFFFFF0, s9  }
0x51: {  	s1 =	sadd.s32 $0x980, s11;
	s0 =	sadd.s32 s3, s0  }
0x52: {  	[tilespmem:s1], [sflag:$0x1] =	stream.linear.gather [hbm4b:s0+s2], $0x80, $0x38;
	[tilespmem:$0x10200] =	vst v63  }
0x53: {  	_ = 	snop  }
0x54: {  	v0 =	vld [tilespmem:s13+$0x0];
	_ =	sdelay $0x2  }
0x55: {  	s11 =	sshra.s32 s26, $0x2  }
0x56: {  	s17 =	sadd.s32 $0x300, s11  }
0x57: {  	s14 =	sadd.s32 $0x400, s11;
	v1 =	vnsel vm0, $0x0, v0;
	v2 =	vsel vm3, $0x0, v0;
	v3 =	vsel vm14, $0x0, v0  }
0x58: {  	s26 =	sadd.s32 $0x200, s11;
	s20 =	sadd.s32 $0x280, s11;
	v4 =	vsel vm6, $0x0, v0;
	v5 =	vsel vm13, $0x0, v0;
	v2 =	vxor.u32 $0x80000000, v2  }
0x59: {  	v6 =	vsel vm7, $0x0, v0;
	v1 =	vxor.u32 $0x80000000, v1;
	v3 =	vxor.u32 $0x80000000, v3;
	(xrf0) =	vmax.scan.msk.u32 $0xffff, v2  }
0x5a: {  	s16 =	sadd.s32 $0x480, s11;
	v7 =	vsel vm2, $0x0, v0;
	v6 =	vxor.u32 $0x80000000, v6;
	v2 =	vsel vm1, $0x0, v0;
	(xrf0) =	vmax.scan.msk.u32 $0xffff, v1  }
0x5b: {  	v8 =	vsel vm5, $0x0, v0;
	v1 =	vxor.u32 $0x80000000, v2;
	v2 =	vsel vm4, $0x0, v0;
	(xrf0) =	vmax.scan.msk.u32 $0xffff, v6  }
0x5c: {  	v4 =	vxor.u32 $0x80000000, v4;
	v2 =	vxor.u32 $0x80000000, v2;
	v6 =	vxor.u32 $0x80000000, v8;
	(xrf0) =	vmax.scan.msk.u32 $0xffff, v1  }
0x5d: {  	v8 =	vsel vm9, $0x0, v0;
	v1 =	vxor.u32 $0x80000000, v7;
	v7 =	vsel vm8, $0x0, v0;
	(xrf0) =	vmax.scan.msk.u32 $0xffff, v4  }
0x5e: {  	v4 =	vxor.u32 $0x80000000, v7;
	v7 =	vxor.u32 $0x80000000, v8;
	v8 =	vsel vm10, $0x0, v0;
	(xrf0) =	vmax.scan.msk.u32 $0xffff, v1  }
0x5f: {  	s18 =	sadd.s32 $0x500, s11;
	v11 =	vsel vm12, $0x0, v0;
	v1 =	vxor.u32 $0x80000000, v8;
	v8 =	vsel vm11, $0x0, v0;
	v10, _, _ =	vpop (xrf0);
	(xrf0) =	vmax.scan.msk.u32 $0xffff, v2  }
0x60: {  	s23 =	sadd.s32 $0x380, s11;
	v2 =	vxor.u32 $0x80000000, v8;
	v8 =	vxor.u32 $0x80000000, v11;
	v9, _, _ =	vpop (xrf0);
	(v2sf) =	vpush v10, $0xF;
	(xrf0) =	vmax.scan.msk.u32 $0xffff, v6  }
0x61: {  	v5 =	vxor.u32 $0x80000000, v5;
	v0 =	vsel vm15, $0x0, v0;
	(v2sf) =	vpush v9, $0xF;
	v6, _, _ =	vpop (xrf0);
	(xrf0) =	vmax.scan.msk.u32 $0xffff, v4  }
0x62: {  	v0 =	vxor.u32 $0x80000000, v0;
	v4, _, _ =	vpop (xrf0);
	(v2sf) =	vpush v6, $0xF;
	(xrf0) =	vmax.scan.msk.u32 $0xffff, v7  }
0x63: {  	(v2sf) =	vpush v4, $0xF;
	v4, _, _ =	vpop (xrf0);
	(xrf0) =	vmax.scan.msk.u32 $0xffff, v1  }
0x64: {  	v1, _, _ =	vpop (xrf0);
	(v2sf) =	vpush v4, $0xF;
	(xrf0) =	vmax.scan.msk.u32 $0xffff, v2  }
0x65: {  	(v2sf) =	vpush v1, $0xF;
	v1, _, _ =	vpop (xrf0);
	(xrf0) =	vmax.scan.msk.u32 $0xffff, v8  }
0x66: {  	v2, _, _ =	vpop (xrf0);
	(xrf0) =	vmax.scan.msk.u32 $0xffff, v5  }
0x67: {  	(v2sf) =	vpush v1, $0xF;
	v5, _, _ =	vpop (xrf0);
	(xrf0) =	vmax.scan.msk.u32 $0xffff, v3  }
0x68: {  	v6, _, _ =	vpop (xrf0);
	(xrf0) =	vmax.scan.msk.u32 $0xffff, v0  }
0x69: {  	v7, _, _ =	vpop (xrf0)  }
0x6a: {  	(v2sf) =	vpush v2, $0xF;
	v4, _, _ =	vpop (xrf0)  }
0x6b: {  	v3, _, _ =	vpop (xrf0)  }
0x6c: {  	v2, _, _ =	vpop (xrf0)  }
0x6d: {  	s15 =	sadd.s32 $0x880, s11;
	s13 =	sadd.s32 $0x10, s13;
	v1, _, _ =	vpop (xrf0)  }
0x6e: {  	s22 =	sadd.s32 $0x700, s11;
	s21 =	sadd.s32 $0x780, s11;
	s19 =	sadd.s32 $0x800, s11;
	(v2sf) =	vpush v5, $0xF;
	v0, _, _ =	vpop (xrf0)  }
0x6f: {  	s25 =	sadd.s32 $0x600, s11;
	s24 =	sadd.s32 $0x680, s11;
	s0 =	spop (v2sf)  }
0x70: {  	s1 =	spop (v2sf)  }
0x71: {  	s28 =	sadd.s32 $0x580, s11;
	s0 =	sshll.u32 s0, $0x4;
	(v2sf) =	vpush v6, $0xF;
	s1 =	sshll.u32 s1, $0x4  }
.Ltmp0:
0x72: {  	s30 =	sand.u32 $0x1FFFFFF0, s0;
	s0 =	spop (v2sf);
	(pc) =	sbr.rel @p0 .LBB2_2-.Ltmp0, $4  }
0x73: {  	s1 =	sand.u32 $0x1FFFFFF0, s1;
	s29 =	sshll.u32 s0, $0x4;
	s0 =	spop (v2sf)  }
0x74: {  	s9 =	sadd.s32 s3, s1;
	s0 =	sshll.u32 s0, $0x4;
	s1 =	spop (v2sf)  }
0x75: {  	s0 =	sand.u32 $0x1FFFFFF0, s0;
	s31 =	sshll.u32 s1, $0x4;
	s1 =	spop (v2sf);
	(v2sf) =	vpush v7, $0xF  }
0x76: {  	[tilespmem:s26], [sflag:$0x1] =	stream.linear.gather [hbm4b:s9+s2], $0x80, $0x38;
	[tilespmem:$0x10200] =	vst v63  }
0x77: {  	s0 =	sadd.s32 s3, s0;
	s1 =	sshll.u32 s1, $0x4  }
0x78: {  	[tilespmem:s20], [sflag:$0x1] =	stream.linear.gather [hbm4b:s0+s2], $0x80, $0x38;
	[tilespmem:$0x10200] =	vst v63  }
0x79: {  	s0 =	sand.u32 $0x1FFFFFF0, s1  }
0x7a: {  	s12 =	spop (v2sf);
	s0 =	sadd.s32 s3, s0  }
0x7b: {  	[tilespmem:s17], [sflag:$0x1] =	stream.linear.gather [hbm4b:s0+s2], $0x80, $0x38;
	[tilespmem:$0x10200] =	vst v63  }
0x7c: {  	s0 =	sshll.u32 s12, $0x4  }
0x7d: {  	s9 =	sadd.s32 s3, s30;
	s0 =	sand.u32 $0x1FFFFFF0, s0  }
0x7e: {  	[tilespmem:s23], [sflag:$0x1] =	stream.linear.gather [hbm4b:s9+s2], $0x80, $0x38;
	[tilespmem:$0x10200] =	vst v63  }
0x7f: {  	s13 =	spop (v2sf);
	s0 =	sadd.s32 s3, s0  }
0x80: {  	[tilespmem:s14], [sflag:$0x1] =	stream.linear.gather [hbm4b:s0+s2], $0x80, $0x38;
	[tilespmem:$0x10200] =	vst v63  }
0x81: {  	s0 =	sshll.u32 s13, $0x4  }
0x82: {  	s0 =	sand.u32 $0x1FFFFFF0, s0  }
0x83: {  	s14 =	sand.u32 $0x1FFFFFF0, s31;
	s0 =	sadd.s32 s3, s0  }
0x84: {  	(v2sf) =	vpush v4, $0xF;
	[tilespmem:s16], [sflag:$0x1] =	stream.linear.gather [hbm4b:s0+s2], $0x80, $0x38;
	[tilespmem:$0x10200] =	vst v63  }
0x85: {  	s0 =	sadd.s32 s3, s14;
	s16 =	sand.u32 $0x1FFFFFF0, s29  }
0x86: {  	[tilespmem:s18], [sflag:$0x1] =	stream.linear.gather [hbm4b:s0+s2], $0x80, $0x38;
	[tilespmem:$0x10200] =	vst v63  }
0x87: {  	s17 =	spop (v2sf);
	s0 =	sadd.s32 s3, s16  }
0x88: {  	(v2sf) =	vpush v3, $0xF;
	[tilespmem:s28], [sflag:$0x1] =	stream.linear.gather [hbm4b:s0+s2], $0x80, $0x38;
	[tilespmem:$0x10200] =	vst v63  }
0x89: {  	s0 =	sshll.u32 s17, $0x4  }
0x8a: {  	s0 =	sand.u32 $0x1FFFFFF0, s0  }
0x8b: {  	s18 =	spop (v2sf);
	s0 =	sadd.s32 s3, s0  }
0x8c: {  	(v2sf) =	vpush v2, $0xF;
	[tilespmem:s25], [sflag:$0x1] =	stream.linear.gather [hbm4b:s0+s2], $0x80, $0x38;
	[tilespmem:$0x10200] =	vst v63  }
0x8d: {  	s0 =	sshll.u32 s18, $0x4  }
0x8e: {  	s0 =	sand.u32 $0x1FFFFFF0, s0  }
0x8f: {  	s20 =	spop (v2sf);
	s0 =	sadd.s32 s3, s0  }
0x90: {  	(v2sf) =	vpush v1, $0xF;
	[tilespmem:s24], [sflag:$0x1] =	stream.linear.gather [hbm4b:s0+s2], $0x80, $0x38;
	[tilespmem:$0x10200] =	vst v63  }
0x91: {  	s0 =	sshll.u32 s20, $0x4  }
0x92: {  	s0 =	sand.u32 $0x1FFFFFF0, s0  }
0x93: {  	s23 =	spop (v2sf);
	s0 =	sadd.s32 s3, s0  }
0x94: {  	(v2sf) =	vpush v0, $0xF;
	[tilespmem:s22], [sflag:$0x1] =	stream.linear.gather [hbm4b:s0+s2], $0x80, $0x38;
	[tilespmem:$0x10200] =	vst v63  }
0x95: {  	s0 =	sshll.u32 s23, $0x4  }
0x96: {  	s0 =	sand.u32 $0x1FFFFFF0, s0  }
0x97: {  	s24 =	spop (v2sf);
	s0 =	sadd.s32 s3, s0  }
0x98: {  	[tilespmem:s21], [sflag:$0x1] =	stream.linear.gather [hbm4b:s0+s2], $0x80, $0x38;
	[tilespmem:$0x10200] =	vst v63  }
0x99: {  	s0 =	sshll.u32 s24, $0x4  }
0x9a: {  	s0 =	sand.u32 $0x1FFFFFF0, s0  }
0x9b: {  	s25 =	spop (v2sf);
	s0 =	sadd.s32 s3, s0  }
0x9c: {  	[tilespmem:s19], [sflag:$0x1] =	stream.linear.gather [hbm4b:s0+s2], $0x80, $0x38;
	[tilespmem:$0x10200] =	vst v63  }
0x9d: {  	s0 =	sshll.u32 s25, $0x4  }
0x9e: {  	s0 =	sand.u32 $0x1FFFFFF0, s0  }
0x9f: {  	s26 =	spop (v2sf);
	s0 =	sadd.s32 s3, s0  }
0xa0: {  	[tilespmem:s15], [sflag:$0x1] =	stream.linear.gather [hbm4b:s0+s2], $0x80, $0x38;
	[tilespmem:$0x10200] =	vst v63  }
0xa1: {  	s0 =	sshll.u32 s26, $0x4  }
0xa2: {  	s0 =	sand.u32 $0x1FFFFFF0, s0  }
0xa3: {  	s28 =	sadd.s32 $0x900, s11;
	s29 =	spop (v2sf);
	s0 =	sadd.s32 s3, s0  }
0xa4: {  	[tilespmem:s28], [sflag:$0x1] =	stream.linear.gather [hbm4b:s0+s2], $0x80, $0x38;
	[tilespmem:$0x10200] =	vst v63  }
0xa5: {  	s0 =	sshll.u32 s29, $0x4  }
0xa6: {  	s0 =	sand.u32 $0x1FFFFFF0, s0  }
0xa7: {  	s30 =	sadd.s32 $0x980, s11;
	s0 =	sadd.s32 s3, s0  }
0xa8: {  	[tilespmem:s30], [sflag:$0x1] =	stream.linear.gather [hbm4b:s0+s2], $0x80, $0x38;
	[tilespmem:$0x10200] =	vst v63  }
0xa9: {  	s10 =	sadd.s32 $0x1, s10;
	_ =	swait.ge [sflag:s8], $0x10000  }
0xaa: {  	p0 =	sne.s32 s10, s6;
	[sflag:s8] =	ssyncset.done $0x0  }
.Ltmp1:
0xab: {  	s31 =	simm.s32 $0x200;
	[sflag:s8] =	ssyncadd.s32 $0xFFFF0000;
	(pc) =	sbr.rel @p0 .LBB2_1-.Ltmp1, $4  }
0xac: {  	[hbm4b:s5+s2] =	stream.linear.scatter [tilespmem:s31], [sflag:$0x2], $0x10000, $0x38;
	[tilespmem:$0x10200] =	vst v63  }
0xad: {  	_ =	swait.ge [sflag:s7], $0x10000  }
0xae: {  	[sflag:s7] =	ssyncset.done $0x0  }
0xaf: {  	[sflag:s7] =	ssyncadd.s32 $0xFFFF0000  }
0xb0: {  	_ =	sfence.sel $0x180000  }
0xb1: {  	[bflag:$0x0] =	sbarrier.arrive $0xFFFF  }
0xb2: {  	_ =	strace $0x90000047  }
0xb3: {  	s0 =	stileid.u32;
	[bflag:$0x2] =	sbarrier.arrive $0xFFFF  }
0xb4: {  	p0 =	sne.s32 s0, $0x0;
	s0 =	rddreg [dreg:$0x2]  }
0xb5: {  	s0 =	sadd.s32 @!p0 $0x100000, s0  }
0xb6: {  	[sflag:s0] =	ssyncadd.tile.s32 @!p0 $0x1;
	_ =	shalt  }
.Lfunc_end2:
_tile_overlayer_lowered:
.L_overlay_start_2:
0xb7: {  	(tag) =	ssettag $0x2  }
0xb8: {  	s0 =	rddreg [dreg:$0x0];
	s2 =	stileid.u32  }
0xb9: {  	s1 =	rddreg [dreg:$0x1];
	p0 =	sne.s32 s2, $0x0  }
0xba: {  	s3 =	rddreg [dreg:$0x2];
	[bflag:$0x3] =	sbarrier.arrive $0xFFFF;
	s2 =	simm.s32 @!p0 $0x1C02  }
0xbb: {  	[timem:s3], [sflag:s2] =	dma.local @!p0 [hbm:s0], s1  }
0xbc: {  	s0 =	simm.s32 @!p0 $0x2  }
0xbd: {  	_ =	swait.ge @!p0 [sflag:s0], s1  }
0xbe: {  	s1 =	ssub.s32 @!p0 $0x0, s1;
	[sflag:s0] =	ssyncset.done @!p0 $0x0  }
0xbf: {  	[sflag:s0] =	ssyncadd.s32 @!p0 s1  }
0xc0: {  	[bflag:$0x3] =	sbarrier.arrive $0xFFFF  }
0xc1: {  	_ =	shalt  }

</sc_bundles>
